<compile_context>
chip_gen: v7x
topology: tpu7x:2x2x1
jax: 0.10.2.dev20260603
libtpu: 0.0.44.dev20260713+nightly
codegen_flags: <defaults>
</compile_context>

<pallas_src>
import functools

import jax
import jax.numpy as jnp
from jax import lax
from jax.experimental import pallas as pl
from jax.experimental.pallas import tpu as pltpu
from jax.experimental.pallas import tpu_sc as plsc

N = 10000
D = 128
E = 320000

NC = 2
NS = 16
NW = NC * NS

CH = 128
NCHUNK = 80
HALF = 40
EPT = NCHUNK * CH
EPAD = EPT * NW
ACC_ROWS = 10112
NPT = ACC_ROWS // NS
ZFULL = NPT // CH
ZREM = NPT - ZFULL * CH

DW = 128
R = 400
G = N // R


def _sc_mesh():
    return plsc.VectorSubcoreMesh(core_axis_name="c", subcore_axis_name="s")


@functools.partial(
    pl.kernel,
    mesh=_sc_mesh(),
    out_type=jax.ShapeDtypeStruct((NC, ACC_ROWS, DW), jnp.float32),
    scratch_types=[
        pltpu.VMEM((NCHUNK, CH), jnp.int32),
        pltpu.VMEM((CH, DW), jnp.float32),
        pltpu.VMEM_SHARED((ACC_ROWS, DW), jnp.float32),
    ],
)
def _deg_kernel(dst_hbm, ones_hbm, zeros_hbm, out_hbm, didx, ones_v, acc):
    c = lax.axis_index("c")
    s = lax.axis_index("s")
    w = c * NS + s

    for k in range(ZFULL):
        pltpu.sync_copy(zeros_hbm, acc.at[pl.ds(s * NPT + k * CH, CH)])
    pltpu.sync_copy(zeros_hbm.at[pl.ds(0, ZREM)],
                    acc.at[pl.ds(s * NPT + ZFULL * CH, ZREM)])
    pltpu.sync_copy(ones_hbm, ones_v)
    pltpu.sync_copy(dst_hbm.at[w], didx)
    plsc.subcore_barrier()

    def edge_body(j, _):
        pltpu.sync_copy(ones_v, acc.at[didx.at[j]], add=True)
        return 0

    lax.fori_loop(0, NCHUNK, edge_body, 0)
    plsc.subcore_barrier()

    pltpu.sync_copy(acc.at[pl.ds(s * NPT, NPT)], out_hbm.at[c, pl.ds(s * NPT, NPT)])


@functools.partial(
    pl.kernel,
    mesh=_sc_mesh(),
    out_type=jax.ShapeDtypeStruct((NC, ACC_ROWS, D), jnp.float32),
    scratch_types=[
        pltpu.VMEM((NCHUNK, CH), jnp.int32),
        pltpu.VMEM((NCHUNK, CH), jnp.int32),
        pltpu.VMEM((CH, D), jnp.float32),
        pltpu.VMEM_SHARED((ACC_ROWS, D), jnp.float32),
        pltpu.SemaphoreType.DMA,
    ],
)
def _agg_kernel(p_hbm, src_hbm, dst_hbm, zeros_hbm, out_hbm, sidx, didx, rows,
                acc, sem):
    c = lax.axis_index("c")
    s = lax.axis_index("s")
    w = c * NS + s

    for k in range(ZFULL):
        pltpu.sync_copy(zeros_hbm, acc.at[pl.ds(s * NPT + k * CH, CH)])
    pltpu.sync_copy(zeros_hbm.at[pl.ds(0, ZREM)],
                    acc.at[pl.ds(s * NPT + ZFULL * CH, ZREM)])
    pltpu.sync_copy(src_hbm.at[w], sidx)
    pltpu.sync_copy(dst_hbm.at[w], didx)
    plsc.subcore_barrier()

    def edge_body(j, _):
        pltpu.async_copy(p_hbm.at[sidx.at[j]], rows, sem).wait()
        pltpu.sync_copy(rows, acc.at[didx.at[j]], add=True)
        return 0

    lax.fori_loop(0, NCHUNK, edge_body, 0)
    plsc.subcore_barrier()

    pltpu.sync_copy(acc.at[pl.ds(s * NPT, NPT)], out_hbm.at[c, pl.ds(s * NPT, NPT)])


def _dis(dp):
    deg = 1.0 + dp[0, :, 0] + dp[1, :, 0]
    return lax.rsqrt(deg)[:, None]


def _tc1_body(x_ref, w_ref, dp_ref, o_ref):
    o_ref[...] = _dis(dp_ref[...]) * jnp.dot(
        x_ref[...], w_ref[...], preferred_element_type=jnp.float32)


def _tc2_body(ag_ref, p_ref, b_ref, w_ref, dp_ref, o_ref):
    dis = _dis(dp_ref[...])
    z = dis * (ag_ref[0] + ag_ref[1] + p_ref[...]) + b_ref[...]
    h = jnp.maximum(z, 0.0)
    o_ref[...] = dis * jnp.dot(h, w_ref[...], preferred_element_type=jnp.float32)


def _tc3_body(ag_ref, p_ref, b_ref, dp_ref, o_ref):
    dis = _dis(dp_ref[...])
    z = dis * (ag_ref[0] + ag_ref[1] + p_ref[...]) + b_ref[...]
    m = jnp.max(z, axis=1, keepdims=True)
    lse = jnp.log(jnp.sum(jnp.exp(z - m), axis=1, keepdims=True))
    o_ref[...] = z - m - lse


_blk = pl.BlockSpec((R, D), lambda i: (i, 0))
_wblk = pl.BlockSpec((D, D), lambda i: (0, 0))
_bblk = pl.BlockSpec((1, D), lambda i: (0, 0))
_dpblk = pl.BlockSpec((2, R, DW), lambda i: (0, i, 0))
_agblk = pl.BlockSpec((2, R, D), lambda i: (0, i, 0))
_oshape = jax.ShapeDtypeStruct((N, D), jnp.float32)


def _tc1(x, W, degp):
    return pl.pallas_call(
        _tc1_body, grid=(G,),
        in_specs=[_blk, _wblk, _dpblk],
        out_specs=_blk, out_shape=_oshape)(x, W, degp)


def _tc2(ag, p, b, W, degp):
    return pl.pallas_call(
        _tc2_body, grid=(G,),
        in_specs=[_agblk, _blk, _bblk, _wblk, _dpblk],
        out_specs=_blk, out_shape=_oshape)(ag, p, b, W, degp)


def _tc3(ag, p, b, degp):
    return pl.pallas_call(
        _tc3_body, grid=(G,),
        in_specs=[_agblk, _blk, _bblk, _dpblk],
        out_specs=_blk, out_shape=_oshape)(ag, p, b, degp)


def kernel(x, edge_index, W1, b1, W2, b2):
    ei = edge_index.astype(jnp.int32)
    pad = EPAD - E
    src_p = jnp.concatenate([ei[0], jnp.zeros((pad,), jnp.int32)])
    dst_p = jnp.concatenate([ei[1], jnp.full((pad,), N, jnp.int32)])
    src2d = src_p.reshape(NW, NCHUNK, CH)
    dst2d = dst_p.reshape(NW, NCHUNK, CH)

    ones16 = jnp.ones((CH, DW), jnp.float32)
    zeros16 = jnp.zeros((CH, DW), jnp.float32)
    zerosD = jnp.zeros((CH, D), jnp.float32)
    degp = _deg_kernel(dst2d, ones16, zeros16)
    p1 = _tc1(x, W1, degp)
    ag1 = _agg_kernel(p1, src2d, dst2d, zerosD)
    p2 = _tc2(ag1, p1, b1.reshape(1, D), W2, degp)
    ag2 = _agg_kernel(p2, src2d, dst2d, zerosD)
    return _tc3(ag2, p2, b2.reshape(1, D), degp)

# --- scband reference (transcript-rebuilt; emitter-appended) ---
"""Pipeline reference for scband-bayesian-gcn-59442347377126 (READ-ONLY COPY).

The authoritative reference and input builder live on the scoring server;
editing this copy changes nothing except your own understanding.
"""

import jax, jax.numpy as jnp
import numpy as np

N_NODES = 10000
D_IN = 128
D_HID = 128
D_OUT = 128
N_EDGES = 320000


def setup_inputs(seed: int = 0) -> dict:
    key = jax.random.key(seed)
    k1, k2, k3, k4, k5, k6 = jax.random.split(key, 6)
    x = jax.random.normal(k1, (N_NODES, D_IN), dtype=jnp.float32)
    edge_index = jax.random.randint(k2, (2, N_EDGES), 0, N_NODES, dtype=jnp.int64)
    # GCNConv layer 1 params (glorot weight, zero bias as in PyG reset)
    s1 = float(np.sqrt(6.0 / (D_IN + D_HID)))
    W1 = jax.random.uniform(k3, (D_IN, D_HID), dtype=jnp.float32, minval=-s1, maxval=s1)
    b1 = jnp.zeros((D_HID,), dtype=jnp.float32)
    # GCNConv layer 2 params
    s2 = float(np.sqrt(6.0 / (D_HID + D_OUT)))
    W2 = jax.random.uniform(k4, (D_HID, D_OUT), dtype=jnp.float32, minval=-s2, maxval=s2)
    b2 = jnp.zeros((D_OUT,), dtype=jnp.float32)
    return {"x": x, "edge_index": edge_index, "W1": W1, "b1": b1, "W2": W2, "b2": b2}


def _gcn_layer(x, edge_index, W, b):
    # BayesianGCNConv in eval mode: dropout_adj is a no-op; explicit add_self_loops,
    # then GCNConv (add_remaining_self_loops inside gcn_norm adds nothing new).
    N = x.shape[0]
    loop = jnp.arange(N, dtype=edge_index.dtype)
    src = jnp.concatenate([edge_index[0], loop])
    dst = jnp.concatenate([edge_index[1], loop])
    # symmetric normalization: deg over destination nodes
    deg = jnp.zeros((N,), dtype=x.dtype).at[dst].add(1.0)
    deg_inv_sqrt = jnp.where(deg > 0, 1.0 / jnp.sqrt(deg), 0.0)
    norm = deg_inv_sqrt[src] * deg_inv_sqrt[dst]
    h = x @ W
    msg = h[src] * norm[:, None]
    out = jnp.zeros((N, h.shape[1]), dtype=x.dtype).at[dst].add(msg)
    return out + b


def reference(x, edge_index, W1, b1, W2, b2):
    h = _gcn_layer(x, edge_index, W1, b1)
    h = jax.nn.relu(h)
    # F.dropout is a no-op in eval mode
    h = _gcn_layer(h, edge_index, W2, b2)
    return jax.nn.log_softmax(h, axis=1)

if __name__ == "__main__":
    import jax
    _d = setup_inputs()
    print(jax.jit(kernel)(*tuple(_d.values())))

</pallas_src>

<mosaic_0001>
#map = affine_map<(d0, d1) -> (0, 0)>
#map1 = affine_map<(d0, d1) -> (0, 0, 0)>
module attributes {stable_mosaic.version = 14 : i64} {
  func.func @_agg_kernel(%arg0: i32, %arg1: i32, %arg2: memref<10000x128xf32, #tpu.memory_space<hbm>>, %arg3: memref<32x80x128xi32, #tpu.memory_space<hbm>>, %arg4: memref<32x80x128xi32, #tpu.memory_space<hbm>>, %arg5: memref<128x128xf32, #tpu.memory_space<hbm>>, %arg6: memref<2x10112x128xf32, #tpu.memory_space<hbm>>, %arg7: memref<80x128xi32, #tpu.memory_space<vmem>>, %arg8: memref<80x128xi32, #tpu.memory_space<vmem>>, %arg9: memref<128x128xf32, #tpu.memory_space<vmem>>, %arg10: memref<10112x128xf32, #tpu.memory_space<vmem_shared>>, %arg11: memref<!tpu.dma_semaphore, #tpu.memory_space<semaphore_mem>>) attributes {dimension_semantics = [#tpu.dimension_semantics<core_parallel>, #tpu.dimension_semantics<subcore_parallel>], iteration_bounds = array<i64: 2, 16>, scalar_prefetch = 0 : i64, scratch_operands = 5 : i64, tpu.core_type = #tpu.core_type<sc_vector_subcore>, window_params = [{transform_indices = #map}, {transform_indices = #map1}, {transform_indices = #map1}, {transform_indices = #map}, {transform_indices = #map1}]} {
    %mul3A = arith.constant 16 : i32
    %mul3A_0 = arith.muli %arg0, %mul3A : i32
    %add3A = arith.addi %mul3A_0, %arg1 : i32
    %mul3A_1 = arith.constant 632 : i32
    %mul3A_2 = arith.muli %arg1, %mul3A_1 : i32
    %add3A_3 = arith.constant 0 : i32
    %add3A_4 = arith.addi %mul3A_2, %add3A_3 : i32
    "tpu.region"() ({
      %run_scoped3A = tpu.sem_alloc : memref<!tpu.dma_semaphore, #tpu.memory_space<semaphore_mem>>
      %dma_start3A = arith.constant 0 : i32
      %dma_start3A_32 = tpu.memref_slice %arg10[%add3A_4, %dma_start3A] : memref<10112x128xf32, #tpu.memory_space<vmem_shared>> -> memref<128x128xf32, #tpu.memory_space<vmem_shared>>
      tpu.enqueue_dma source(%arg5 : memref<128x128xf32, #tpu.memory_space<hbm>>) target(%dma_start3A_32 : memref<128x128xf32, #tpu.memory_space<vmem_shared>>) target_semaphore(%run_scoped3A : memref<!tpu.dma_semaphore, #tpu.memory_space<semaphore_mem>>)
      %dma_wait3A = arith.constant 0 : i32
      %dma_wait3A_33 = tpu.memref_slice %arg10[%add3A_4, %dma_wait3A] : memref<10112x128xf32, #tpu.memory_space<vmem_shared>> -> memref<128x128xf32, #tpu.memory_space<vmem_shared>>
      tpu.wait_dma2 semaphore(%run_scoped3A : memref<!tpu.dma_semaphore, #tpu.memory_space<semaphore_mem>>) src(%arg5 : memref<128x128xf32, #tpu.memory_space<hbm>>) dst(%dma_wait3A_33 : memref<128x128xf32, #tpu.memory_space<vmem_shared>>)
      tpu.yield
    }) : () -> ()
    %mul3A_5 = arith.constant 632 : i32
    %mul3A_6 = arith.muli %arg1, %mul3A_5 : i32
    %add3A_7 = arith.constant 128 : i32
    %add3A_8 = arith.addi %mul3A_6, %add3A_7 : i32
    "tpu.region"() ({
      %run_scoped3A = tpu.sem_alloc : memref<!tpu.dma_semaphore, #tpu.memory_space<semaphore_mem>>
      %dma_start3A = arith.constant 0 : i32
      %dma_start3A_32 = tpu.memref_slice %arg10[%add3A_8, %dma_start3A] : memref<10112x128xf32, #tpu.memory_space<vmem_shared>> -> memref<128x128xf32, #tpu.memory_space<vmem_shared>>
      tpu.enqueue_dma source(%arg5 : memref<128x128xf32, #tpu.memory_space<hbm>>) target(%dma_start3A_32 : memref<128x128xf32, #tpu.memory_space<vmem_shared>>) target_semaphore(%run_scoped3A : memref<!tpu.dma_semaphore, #tpu.memory_space<semaphore_mem>>)
      %dma_wait3A = arith.constant 0 : i32
      %dma_wait3A_33 = tpu.memref_slice %arg10[%add3A_8, %dma_wait3A] : memref<10112x128xf32, #tpu.memory_space<vmem_shared>> -> memref<128x128xf32, #tpu.memory_space<vmem_shared>>
      tpu.wait_dma2 semaphore(%run_scoped3A : memref<!tpu.dma_semaphore, #tpu.memory_space<semaphore_mem>>) src(%arg5 : memref<128x128xf32, #tpu.memory_space<hbm>>) dst(%dma_wait3A_33 : memref<128x128xf32, #tpu.memory_space<vmem_shared>>)
      tpu.yield
    }) : () -> ()
    %mul3A_9 = arith.constant 632 : i32
    %mul3A_10 = arith.muli %arg1, %mul3A_9 : i32
    %add3A_11 = arith.constant 256 : i32
    %add3A_12 = arith.addi %mul3A_10, %add3A_11 : i32
    "tpu.region"() ({
      %run_scoped3A = tpu.sem_alloc : memref<!tpu.dma_semaphore, #tpu.memory_space<semaphore_mem>>
      %dma_start3A = arith.constant 0 : i32
      %dma_start3A_32 = tpu.memref_slice %arg10[%add3A_12, %dma_start3A] : memref<10112x128xf32, #tpu.memory_space<vmem_shared>> -> memref<128x128xf32, #tpu.memory_space<vmem_shared>>
      tpu.enqueue_dma source(%arg5 : memref<128x128xf32, #tpu.memory_space<hbm>>) target(%dma_start3A_32 : memref<128x128xf32, #tpu.memory_space<vmem_shared>>) target_semaphore(%run_scoped3A : memref<!tpu.dma_semaphore, #tpu.memory_space<semaphore_mem>>)
      %dma_wait3A = arith.constant 0 : i32
      %dma_wait3A_33 = tpu.memref_slice %arg10[%add3A_12, %dma_wait3A] : memref<10112x128xf32, #tpu.memory_space<vmem_shared>> -> memref<128x128xf32, #tpu.memory_space<vmem_shared>>
      tpu.wait_dma2 semaphore(%run_scoped3A : memref<!tpu.dma_semaphore, #tpu.memory_space<semaphore_mem>>) src(%arg5 : memref<128x128xf32, #tpu.memory_space<hbm>>) dst(%dma_wait3A_33 : memref<128x128xf32, #tpu.memory_space<vmem_shared>>)
      tpu.yield
    }) : () -> ()
    %mul3A_13 = arith.constant 632 : i32
    %mul3A_14 = arith.muli %arg1, %mul3A_13 : i32
    %add3A_15 = arith.constant 384 : i32
    %add3A_16 = arith.addi %mul3A_14, %add3A_15 : i32
    "tpu.region"() ({
      %run_scoped3A = tpu.sem_alloc : memref<!tpu.dma_semaphore, #tpu.memory_space<semaphore_mem>>
      %dma_start3A = arith.constant 0 : i32
      %dma_start3A_32 = tpu.memref_slice %arg10[%add3A_16, %dma_start3A] : memref<10112x128xf32, #tpu.memory_space<vmem_shared>> -> memref<128x128xf32, #tpu.memory_space<vmem_shared>>
      tpu.enqueue_dma source(%arg5 : memref<128x128xf32, #tpu.memory_space<hbm>>) target(%dma_start3A_32 : memref<128x128xf32, #tpu.memory_space<vmem_shared>>) target_semaphore(%run_scoped3A : memref<!tpu.dma_semaphore, #tpu.memory_space<semaphore_mem>>)
      %dma_wait3A = arith.constant 0 : i32
      %dma_wait3A_33 = tpu.memref_slice %arg10[%add3A_16, %dma_wait3A] : memref<10112x128xf32, #tpu.memory_space<vmem_shared>> -> memref<128x128xf32, #tpu.memory_space<vmem_shared>>
      tpu.wait_dma2 semaphore(%run_scoped3A : memref<!tpu.dma_semaphore, #tpu.memory_space<semaphore_mem>>) src(%arg5 : memref<128x128xf32, #tpu.memory_space<hbm>>) dst(%dma_wait3A_33 : memref<128x128xf32, #tpu.memory_space<vmem_shared>>)
      tpu.yield
    }) : () -> ()
    %mul3A_17 = arith.constant 632 : i32
    %mul3A_18 = arith.muli %arg1, %mul3A_17 : i32
    %add3A_19 = arith.constant 512 : i32
    %add3A_20 = arith.addi %mul3A_18, %add3A_19 : i32
    "tpu.region"() ({
      %run_scoped3A = tpu.sem_alloc : memref<!tpu.dma_semaphore, #tpu.memory_space<semaphore_mem>>
      %dma_start3A = arith.constant 0 : i32
      %dma_start3A_32 = tpu.memref_slice %arg10[%add3A_20, %dma_start3A] : memref<10112x128xf32, #tpu.memory_space<vmem_shared>> -> memref<120x128xf32, #tpu.memory_space<vmem_shared>>
      %dma_start3A_33 = arith.constant 0 : i32
      %dma_start3A_34 = arith.constant 0 : i32
      %dma_start3A_35 = tpu.memref_slice %arg5[%dma_start3A_33, %dma_start3A_34] : memref<128x128xf32, #tpu.memory_space<hbm>> -> memref<120x128xf32, #tpu.memory_space<hbm>>
      tpu.enqueue_dma source(%dma_start3A_35 : memref<120x128xf32, #tpu.memory_space<hbm>>) target(%dma_start3A_32 : memref<120x128xf32, #tpu.memory_space<vmem_shared>>) target_semaphore(%run_scoped3A : memref<!tpu.dma_semaphore, #tpu.memory_space<semaphore_mem>>)
      %dma_wait3A = arith.constant 0 : i32
      %dma_wait3A_36 = tpu.memref_slice %arg10[%add3A_20, %dma_wait3A] : memref<10112x128xf32, #tpu.memory_space<vmem_shared>> -> memref<120x128xf32, #tpu.memory_space<vmem_shared>>
      %dma_wait3A_37 = arith.constant 0 : i32
      %dma_wait3A_38 = arith.constant 0 : i32
      %dma_wait3A_39 = tpu.memref_slice %arg5[%dma_wait3A_37, %dma_wait3A_38] : memref<128x128xf32, #tpu.memory_space<hbm>> -> memref<120x128xf32, #tpu.memory_space<hbm>>
      tpu.wait_dma2 semaphore(%run_scoped3A : memref<!tpu.dma_semaphore, #tpu.memory_space<semaphore_mem>>) src(%dma_wait3A_39 : memref<120x128xf32, #tpu.memory_space<hbm>>) dst(%dma_wait3A_36 : memref<120x128xf32, #tpu.memory_space<vmem_shared>>)
      tpu.yield
    }) : () -> ()
    "tpu.region"() ({
      %run_scoped3A = tpu.sem_alloc : memref<!tpu.dma_semaphore, #tpu.memory_space<semaphore_mem>>
      %dma_start3A = arith.constant 0 : i32
      %dma_start3A_32 = arith.constant 0 : i32
      %dma_start3A_33 = tpu.memref_slice %arg3[%add3A, %dma_start3A, %dma_start3A_32] : memref<32x80x128xi32, #tpu.memory_space<hbm>> -> memref<1x80x128xi32, #tpu.memory_space<hbm>>
      %dma_start3A_34 = tpu.memref_squeeze %dma_start3A_33 : memref<1x80x128xi32, #tpu.memory_space<hbm>> -> memref<80x128xi32, #tpu.memory_space<hbm>>
      %dma_start3A_35 = arith.constant 0 : i32
      %dma_start3A_36 = arith.constant 0 : i32
      %dma_start3A_37 = tpu.memref_slice %arg3[%add3A, %dma_start3A_35, %dma_start3A_36] : memref<32x80x128xi32, #tpu.memory_space<hbm>> -> memref<1x80x128xi32, #tpu.memory_space<hbm>>
      %dma_start3A_38 = tpu.memref_squeeze %dma_start3A_37 : memref<1x80x128xi32, #tpu.memory_space<hbm>> -> memref<80x128xi32, #tpu.memory_space<hbm>>
      tpu.enqueue_dma source(%dma_start3A_38 : memref<80x128xi32, #tpu.memory_space<hbm>>) target(%arg7 : memref<80x128xi32, #tpu.memory_space<vmem>>) target_semaphore(%run_scoped3A : memref<!tpu.dma_semaphore, #tpu.memory_space<semaphore_mem>>)
      %dma_wait3A = arith.constant 0 : i32
      %dma_wait3A_39 = arith.constant 0 : i32
      %dma_wait3A_40 = tpu.memref_slice %arg3[%add3A, %dma_wait3A, %dma_wait3A_39] : memref<32x80x128xi32, #tpu.memory_space<hbm>> -> memref<1x80x128xi32, #tpu.memory_space<hbm>>
      %dma_wait3A_41 = tpu.memref_squeeze %dma_wait3A_40 : memref<1x80x128xi32, #tpu.memory_space<hbm>> -> memref<80x128xi32, #tpu.memory_space<hbm>>
      %dma_wait3A_42 = arith.constant 0 : i32
      %dma_wait3A_43 = arith.constant 0 : i32
      %dma_wait3A_44 = tpu.memref_slice %arg3[%add3A, %dma_wait3A_42, %dma_wait3A_43] : memref<32x80x128xi32, #tpu.memory_space<hbm>> -> memref<1x80x128xi32, #tpu.memory_space<hbm>>
      %dma_wait3A_45 = tpu.memref_squeeze %dma_wait3A_44 : memref<1x80x128xi32, #tpu.memory_space<hbm>> -> memref<80x128xi32, #tpu.memory_space<hbm>>
      tpu.wait_dma2 semaphore(%run_scoped3A : memref<!tpu.dma_semaphore, #tpu.memory_space<semaphore_mem>>) src(%dma_wait3A_45 : memref<80x128xi32, #tpu.memory_space<hbm>>) dst(%arg7 : memref<80x128xi32, #tpu.memory_space<vmem>>)
      tpu.yield
    }) : () -> ()
    "tpu.region"() ({
      %run_scoped3A = tpu.sem_alloc : memref<!tpu.dma_semaphore, #tpu.memory_space<semaphore_mem>>
      %dma_start3A = arith.constant 0 : i32
      %dma_start3A_32 = arith.constant 0 : i32
      %dma_start3A_33 = tpu.memref_slice %arg4[%add3A, %dma_start3A, %dma_start3A_32] : memref<32x80x128xi32, #tpu.memory_space<hbm>> -> memref<1x80x128xi32, #tpu.memory_space<hbm>>
      %dma_start3A_34 = tpu.memref_squeeze %dma_start3A_33 : memref<1x80x128xi32, #tpu.memory_space<hbm>> -> memref<80x128xi32, #tpu.memory_space<hbm>>
      %dma_start3A_35 = arith.constant 0 : i32
      %dma_start3A_36 = arith.constant 0 : i32
      %dma_start3A_37 = tpu.memref_slice %arg4[%add3A, %dma_start3A_35, %dma_start3A_36] : memref<32x80x128xi32, #tpu.memory_space<hbm>> -> memref<1x80x128xi32, #tpu.memory_space<hbm>>
      %dma_start3A_38 = tpu.memref_squeeze %dma_start3A_37 : memref<1x80x128xi32, #tpu.memory_space<hbm>> -> memref<80x128xi32, #tpu.memory_space<hbm>>
      tpu.enqueue_dma source(%dma_start3A_38 : memref<80x128xi32, #tpu.memory_space<hbm>>) target(%arg8 : memref<80x128xi32, #tpu.memory_space<vmem>>) target_semaphore(%run_scoped3A : memref<!tpu.dma_semaphore, #tpu.memory_space<semaphore_mem>>)
      %dma_wait3A = arith.constant 0 : i32
      %dma_wait3A_39 = arith.constant 0 : i32
      %dma_wait3A_40 = tpu.memref_slice %arg4[%add3A, %dma_wait3A, %dma_wait3A_39] : memref<32x80x128xi32, #tpu.memory_space<hbm>> -> memref<1x80x128xi32, #tpu.memory_space<hbm>>
      %dma_wait3A_41 = tpu.memref_squeeze %dma_wait3A_40 : memref<1x80x128xi32, #tpu.memory_space<hbm>> -> memref<80x128xi32, #tpu.memory_space<hbm>>
      %dma_wait3A_42 = arith.constant 0 : i32
      %dma_wait3A_43 = arith.constant 0 : i32
      %dma_wait3A_44 = tpu.memref_slice %arg4[%add3A, %dma_wait3A_42, %dma_wait3A_43] : memref<32x80x128xi32, #tpu.memory_space<hbm>> -> memref<1x80x128xi32, #tpu.memory_space<hbm>>
      %dma_wait3A_45 = tpu.memref_squeeze %dma_wait3A_44 : memref<1x80x128xi32, #tpu.memory_space<hbm>> -> memref<80x128xi32, #tpu.memory_space<hbm>>
      tpu.wait_dma2 semaphore(%run_scoped3A : memref<!tpu.dma_semaphore, #tpu.memory_space<semaphore_mem>>) src(%dma_wait3A_45 : memref<80x128xi32, #tpu.memory_space<hbm>>) dst(%arg8 : memref<80x128xi32, #tpu.memory_space<vmem>>)
      tpu.yield
    }) : () -> ()
    %barrier3A = arith.constant 0 : index
    tpu.barrier barrier_id(%barrier3A)
    %scan3A = arith.constant 0 : i32
    %scan3A_21 = arith.constant 0 : i32
    %scan3A_22 = arith.constant 80 : i32
    %scan3A_23 = arith.addi %scan3A_21, %scan3A_22 : i32
    %scan3A_24 = arith.constant 1 : i32
    %scan3A_25 = scf.for %scan3A_32 = %scan3A_21 to %scan3A_23 step %scan3A_24 iter_args(%scan3A_33 = %scan3A) -> (i32)  : i32 {
      %dma_start3A = arith.constant 0 : i32
      %dma_start3A_34 = tpu.memref_slice %arg7[%scan3A_32, %dma_start3A] : memref<80x128xi32, #tpu.memory_space<vmem>> -> memref<1x128xi32, #tpu.memory_space<vmem>>
      %dma_start3A_35 = tpu.memref_squeeze %dma_start3A_34 : memref<1x128xi32, #tpu.memory_space<vmem>> -> memref<128xi32, #tpu.memory_space<vmem>>
      %dma_start3A_36 = arith.constant 0 : i32
      %dma_start3A_37 = arith.constant 0 : i32
      %dma_start3A_38 = tpu.memref_slice %arg2[%dma_start3A_36, %dma_start3A_37] : memref<10000x128xf32, #tpu.memory_space<hbm>> -> memref<10000x128xf32, #tpu.memory_space<hbm>>
      tpu.enqueue_indirect_dma source(%dma_start3A_38 : memref<10000x128xf32, #tpu.memory_space<hbm>>) target(%arg9 : memref<128x128xf32, #tpu.memory_space<vmem>>) offsets(%dma_start3A_35 : memref<128xi32, #tpu.memory_space<vmem>>) semaphore(%arg11 : memref<!tpu.dma_semaphore, #tpu.memory_space<semaphore_mem>>)
      %dma_wait3A = arith.constant 0 : i32
      %dma_wait3A_39 = tpu.memref_slice %arg7[%scan3A_32, %dma_wait3A] : memref<80x128xi32, #tpu.memory_space<vmem>> -> memref<1x128xi32, #tpu.memory_space<vmem>>
      %dma_wait3A_40 = tpu.memref_squeeze %dma_wait3A_39 : memref<1x128xi32, #tpu.memory_space<vmem>> -> memref<128xi32, #tpu.memory_space<vmem>>
      %dma_wait3A_41 = arith.constant 0 : i32
      %dma_wait3A_42 = arith.constant 0 : i32
      %dma_wait3A_43 = tpu.memref_slice %arg2[%dma_wait3A_41, %dma_wait3A_42] : memref<10000x128xf32, #tpu.memory_space<hbm>> -> memref<10000x128xf32, #tpu.memory_space<hbm>>
      tpu.wait_indirect_dma semaphore(%arg11 : memref<!tpu.dma_semaphore, #tpu.memory_space<semaphore_mem>>) src(%dma_wait3A_43 : memref<10000x128xf32, #tpu.memory_space<hbm>>) dst(%arg9 : memref<128x128xf32, #tpu.memory_space<vmem>>)
      "tpu.region"() ({
        %run_scoped3A = tpu.sem_alloc : memref<!tpu.dma_semaphore, #tpu.memory_space<semaphore_mem>>
        %dma_start3A_45 = arith.constant 0 : i32
        %dma_start3A_46 = tpu.memref_slice %arg8[%scan3A_32, %dma_start3A_45] : memref<80x128xi32, #tpu.memory_space<vmem>> -> memref<1x128xi32, #tpu.memory_space<vmem>>
        %dma_start3A_47 = tpu.memref_squeeze %dma_start3A_46 : memref<1x128xi32, #tpu.memory_space<vmem>> -> memref<128xi32, #tpu.memory_space<vmem>>
        %dma_start3A_48 = arith.constant 0 : i32
        %dma_start3A_49 = arith.constant 0 : i32
        %dma_start3A_50 = tpu.memref_slice %arg10[%dma_start3A_48, %dma_start3A_49] : memref<10112x128xf32, #tpu.memory_space<vmem_shared>> -> memref<10112x128xf32, #tpu.memory_space<vmem_shared>>
        tpu.enqueue_indirect_dma source(%arg9 : memref<128x128xf32, #tpu.memory_space<vmem>>) target(%dma_start3A_50 : memref<10112x128xf32, #tpu.memory_space<vmem_shared>>) offsets(%dma_start3A_47 : memref<128xi32, #tpu.memory_space<vmem>>) semaphore(%run_scoped3A : memref<!tpu.dma_semaphore, #tpu.memory_space<semaphore_mem>>) {add = true}
        %dma_wait3A_51 = arith.constant 0 : i32
        %dma_wait3A_52 = tpu.memref_slice %arg8[%scan3A_32, %dma_wait3A_51] : memref<80x128xi32, #tpu.memory_space<vmem>> -> memref<1x128xi32, #tpu.memory_space<vmem>>
        %dma_wait3A_53 = tpu.memref_squeeze %dma_wait3A_52 : memref<1x128xi32, #tpu.memory_space<vmem>> -> memref<128xi32, #tpu.memory_space<vmem>>
        %dma_wait3A_54 = arith.constant 0 : i32
        %dma_wait3A_55 = arith.constant 0 : i32
        %dma_wait3A_56 = tpu.memref_slice %arg10[%dma_wait3A_54, %dma_wait3A_55] : memref<10112x128xf32, #tpu.memory_space<vmem_shared>> -> memref<10112x128xf32, #tpu.memory_space<vmem_shared>>
        tpu.wait_indirect_dma semaphore(%run_scoped3A : memref<!tpu.dma_semaphore, #tpu.memory_space<semaphore_mem>>) src(%arg9 : memref<128x128xf32, #tpu.memory_space<vmem>>) dst(%dma_wait3A_56 : memref<10112x128xf32, #tpu.memory_space<vmem_shared>>)
        tpu.yield
      }) : () -> ()
      %scan3A_44 = arith.constant 0 : i32
      scf.yield %scan3A_44 : i32
    }
    %scan3A_26 = arith.constant 80 : i32
    %barrier3A_27 = arith.constant 0 : index
    tpu.barrier barrier_id(%barrier3A_27)
    %mul3A_28 = arith.constant 632 : i32
    %mul3A_29 = arith.muli %arg1, %mul3A_28 : i32
    %mul3A_30 = arith.constant 632 : i32
    %mul3A_31 = arith.muli %arg1, %mul3A_30 : i32
    "tpu.region"() ({
      %run_scoped3A = tpu.sem_alloc : memref<!tpu.dma_semaphore, #tpu.memory_space<semaphore_mem>>
      %dma_start3A = arith.constant 0 : i32
      %dma_start3A_32 = tpu.memref_slice %arg6[%arg0, %mul3A_31, %dma_start3A] : memref<2x10112x128xf32, #tpu.memory_space<hbm>> -> memref<1x632x128xf32, #tpu.memory_space<hbm>>
      %dma_start3A_33 = tpu.memref_squeeze %dma_start3A_32 : memref<1x632x128xf32, #tpu.memory_space<hbm>> -> memref<632x128xf32, #tpu.memory_space<hbm>>
      %dma_start3A_34 = arith.constant 0 : i32
      %dma_start3A_35 = tpu.memref_slice %arg10[%mul3A_29, %dma_start3A_34] : memref<10112x128xf32, #tpu.memory_space<vmem_shared>> -> memref<632x128xf32, #tpu.memory_space<vmem_shared>>
      tpu.enqueue_dma source(%dma_start3A_35 : memref<632x128xf32, #tpu.memory_space<vmem_shared>>) target(%dma_start3A_33 : memref<632x128xf32, #tpu.memory_space<hbm>>) target_semaphore(%run_scoped3A : memref<!tpu.dma_semaphore, #tpu.memory_space<semaphore_mem>>)
      %dma_wait3A = arith.constant 0 : i32
      %dma_wait3A_36 = tpu.memref_slice %arg6[%arg0, %mul3A_31, %dma_wait3A] : memref<2x10112x128xf32, #tpu.memory_space<hbm>> -> memref<1x632x128xf32, #tpu.memory_space<hbm>>
      %dma_wait3A_37 = tpu.memref_squeeze %dma_wait3A_36 : memref<1x632x128xf32, #tpu.memory_space<hbm>> -> memref<632x128xf32, #tpu.memory_space<hbm>>
      %dma_wait3A_38 = arith.constant 0 : i32
      %dma_wait3A_39 = tpu.memref_slice %arg10[%mul3A_29, %dma_wait3A_38] : memref<10112x128xf32, #tpu.memory_space<vmem_shared>> -> memref<632x128xf32, #tpu.memory_space<vmem_shared>>
      tpu.wait_dma2 semaphore(%run_scoped3A : memref<!tpu.dma_semaphore, #tpu.memory_space<semaphore_mem>>) src(%dma_wait3A_39 : memref<632x128xf32, #tpu.memory_space<vmem_shared>>) dst(%dma_wait3A_37 : memref<632x128xf32, #tpu.memory_space<hbm>>)
      tpu.yield
    }) : () -> ()
    return
  }
}

#map = affine_map<(d0, d1) -> (0, 0)>
#map1 = affine_map<(d0, d1) -> (0, 0, 0)>
module attributes {stable_mosaic.version = 14 : i64} {
  func.func @_agg_kernel(%arg0: i32, %arg1: i32, %arg2: memref<10000x128xf32, #tpu.memory_space<hbm>>, %arg3: memref<32x80x128xi32, #tpu.memory_space<hbm>>, %arg4: memref<32x80x128xi32, #tpu.memory_space<hbm>>, %arg5: memref<128x128xf32, #tpu.memory_space<hbm>>, %arg6: memref<2x10112x128xf32, #tpu.memory_space<hbm>>, %arg7: memref<80x128xi32, #tpu.memory_space<vmem>>, %arg8: memref<80x128xi32, #tpu.memory_space<vmem>>, %arg9: memref<128x128xf32, #tpu.memory_space<vmem>>, %arg10: memref<10112x128xf32, #tpu.memory_space<vmem_shared>>, %arg11: memref<!tpu.dma_semaphore, #tpu.memory_space<semaphore_mem>>) attributes {dimension_semantics = [#tpu.dimension_semantics<core_parallel>, #tpu.dimension_semantics<subcore_parallel>], iteration_bounds = array<i64: 2, 16>, scalar_prefetch = 0 : i64, scratch_operands = 5 : i64, tpu.core_type = #tpu.core_type<sc_vector_subcore>, window_params = [{transform_indices = #map}, {transform_indices = #map1}, {transform_indices = #map1}, {transform_indices = #map}, {transform_indices = #map1}]} {
    %mul3A = arith.constant 16 : i32
    %mul3A_0 = arith.muli %arg0, %mul3A : i32
    %add3A = arith.addi %mul3A_0, %arg1 : i32
    %mul3A_1 = arith.constant 632 : i32
    %mul3A_2 = arith.muli %arg1, %mul3A_1 : i32
    %add3A_3 = arith.constant 0 : i32
    %add3A_4 = arith.addi %mul3A_2, %add3A_3 : i32
    "tpu.region"() ({
      %run_scoped3A = tpu.sem_alloc : memref<!tpu.dma_semaphore, #tpu.memory_space<semaphore_mem>>
      %dma_start3A = arith.constant 0 : i32
      %dma_start3A_32 = tpu.memref_slice %arg10[%add3A_4, %dma_start3A] : memref<10112x128xf32, #tpu.memory_space<vmem_shared>> -> memref<128x128xf32, #tpu.memory_space<vmem_shared>>
      tpu.enqueue_dma source(%arg5 : memref<128x128xf32, #tpu.memory_space<hbm>>) target(%dma_start3A_32 : memref<128x128xf32, #tpu.memory_space<vmem_shared>>) target_semaphore(%run_scoped3A : memref<!tpu.dma_semaphore, #tpu.memory_space<semaphore_mem>>)
      %dma_wait3A = arith.constant 0 : i32
      %dma_wait3A_33 = tpu.memref_slice %arg10[%add3A_4, %dma_wait3A] : memref<10112x128xf32, #tpu.memory_space<vmem_shared>> -> memref<128x128xf32, #tpu.memory_space<vmem_shared>>
      tpu.wait_dma2 semaphore(%run_scoped3A : memref<!tpu.dma_semaphore, #tpu.memory_space<semaphore_mem>>) src(%arg5 : memref<128x128xf32, #tpu.memory_space<hbm>>) dst(%dma_wait3A_33 : memref<128x128xf32, #tpu.memory_space<vmem_shared>>)
      tpu.yield
    }) : () -> ()
    %mul3A_5 = arith.constant 632 : i32
    %mul3A_6 = arith.muli %arg1, %mul3A_5 : i32
    %add3A_7 = arith.constant 128 : i32
    %add3A_8 = arith.addi %mul3A_6, %add3A_7 : i32
    "tpu.region"() ({
      %run_scoped3A = tpu.sem_alloc : memref<!tpu.dma_semaphore, #tpu.memory_space<semaphore_mem>>
      %dma_start3A = arith.constant 0 : i32
      %dma_start3A_32 = tpu.memref_slice %arg10[%add3A_8, %dma_start3A] : memref<10112x128xf32, #tpu.memory_space<vmem_shared>> -> memref<128x128xf32, #tpu.memory_space<vmem_shared>>
      tpu.enqueue_dma source(%arg5 : memref<128x128xf32, #tpu.memory_space<hbm>>) target(%dma_start3A_32 : memref<128x128xf32, #tpu.memory_space<vmem_shared>>) target_semaphore(%run_scoped3A : memref<!tpu.dma_semaphore, #tpu.memory_space<semaphore_mem>>)
      %dma_wait3A = arith.constant 0 : i32
      %dma_wait3A_33 = tpu.memref_slice %arg10[%add3A_8, %dma_wait3A] : memref<10112x128xf32, #tpu.memory_space<vmem_shared>> -> memref<128x128xf32, #tpu.memory_space<vmem_shared>>
      tpu.wait_dma2 semaphore(%run_scoped3A : memref<!tpu.dma_semaphore, #tpu.memory_space<semaphore_mem>>) src(%arg5 : memref<128x128xf32, #tpu.memory_space<hbm>>) dst(%dma_wait3A_33 : memref<128x128xf32, #tpu.memory_space<vmem_shared>>)
      tpu.yield
    }) : () -> ()
    %mul3A_9 = arith.constant 632 : i32
    %mul3A_10 = arith.muli %arg1, %mul3A_9 : i32
    %add3A_11 = arith.constant 256 : i32
    %add3A_12 = arith.addi %mul3A_10, %add3A_11 : i32
    "tpu.region"() ({
      %run_scoped3A = tpu.sem_alloc : memref<!tpu.dma_semaphore, #tpu.memory_space<semaphore_mem>>
      %dma_start3A = arith.constant 0 : i32
      %dma_start3A_32 = tpu.memref_slice %arg10[%add3A_12, %dma_start3A] : memref<10112x128xf32, #tpu.memory_space<vmem_shared>> -> memref<128x128xf32, #tpu.memory_space<vmem_shared>>
      tpu.enqueue_dma source(%arg5 : memref<128x128xf32, #tpu.memory_space<hbm>>) target(%dma_start3A_32 : memref<128x128xf32, #tpu.memory_space<vmem_shared>>) target_semaphore(%run_scoped3A : memref<!tpu.dma_semaphore, #tpu.memory_space<semaphore_mem>>)
      %dma_wait3A = arith.constant 0 : i32
      %dma_wait3A_33 = tpu.memref_slice %arg10[%add3A_12, %dma_wait3A] : memref<10112x128xf32, #tpu.memory_space<vmem_shared>> -> memref<128x128xf32, #tpu.memory_space<vmem_shared>>
      tpu.wait_dma2 semaphore(%run_scoped3A : memref<!tpu.dma_semaphore, #tpu.memory_space<semaphore_mem>>) src(%arg5 : memref<128x128xf32, #tpu.memory_space<hbm>>) dst(%dma_wait3A_33 : memref<128x128xf32, #tpu.memory_space<vmem_shared>>)
      tpu.yield
    }) : () -> ()
    %mul3A_13 = arith.constant 632 : i32
    %mul3A_14 = arith.muli %arg1, %mul3A_13 : i32
    %add3A_15 = arith.constant 384 : i32
    %add3A_16 = arith.addi %mul3A_14, %add3A_15 : i32
    "tpu.region"() ({
      %run_scoped3A = tpu.sem_alloc : memref<!tpu.dma_semaphore, #tpu.memory_space<semaphore_mem>>
      %dma_start3A = arith.constant 0 : i32
      %dma_start3A_32 = tpu.memref_slice %arg10[%add3A_16, %dma_start3A] : memref<10112x128xf32, #tpu.memory_space<vmem_shared>> -> memref<128x128xf32, #tpu.memory_space<vmem_shared>>
      tpu.enqueue_dma source(%arg5 : memref<128x128xf32, #tpu.memory_space<hbm>>) target(%dma_start3A_32 : memref<128x128xf32, #tpu.memory_space<vmem_shared>>) target_semaphore(%run_scoped3A : memref<!tpu.dma_semaphore, #tpu.memory_space<semaphore_mem>>)
      %dma_wait3A = arith.constant 0 : i32
      %dma_wait3A_33 = tpu.memref_slice %arg10[%add3A_16, %dma_wait3A] : memref<10112x128xf32, #tpu.memory_space<vmem_shared>> -> memref<128x128xf32, #tpu.memory_space<vmem_shared>>
      tpu.wait_dma2 semaphore(%run_scoped3A : memref<!tpu.dma_semaphore, #tpu.memory_space<semaphore_mem>>) src(%arg5 : memref<128x128xf32, #tpu.memory_space<hbm>>) dst(%dma_wait3A_33 : memref<128x128xf32, #tpu.memory_space<vmem_shared>>)
      tpu.yield
    }) : () -> ()
    %mul3A_17 = arith.constant 632 : i32
    %mul3A_18 = arith.muli %arg1, %mul3A_17 : i32
    %add3A_19 = arith.constant 512 : i32
    %add3A_20 = arith.addi %mul3A_18, %add3A_19 : i32
    "tpu.region"() ({
      %run_scoped3A = tpu.sem_alloc : memref<!tpu.dma_semaphore, #tpu.memory_space<semaphore_mem>>
      %dma_start3A = arith.constant 0 : i32
      %dma_start3A_32 = tpu.memref_slice %arg10[%add3A_20, %dma_start3A] : memref<10112x128xf32, #tpu.memory_space<vmem_shared>> -> memref<120x128xf32, #tpu.memory_space<vmem_shared>>
      %dma_start3A_33 = arith.constant 0 : i32
      %dma_start3A_34 = arith.constant 0 : i32
      %dma_start3A_35 = tpu.memref_slice %arg5[%dma_start3A_33, %dma_start3A_34] : memref<128x128xf32, #tpu.memory_space<hbm>> -> memref<120x128xf32, #tpu.memory_space<hbm>>
      tpu.enqueue_dma source(%dma_start3A_35 : memref<120x128xf32, #tpu.memory_space<hbm>>) target(%dma_start3A_32 : memref<120x128xf32, #tpu.memory_space<vmem_shared>>) target_semaphore(%run_scoped3A : memref<!tpu.dma_semaphore, #tpu.memory_space<semaphore_mem>>)
      %dma_wait3A = arith.constant 0 : i32
      %dma_wait3A_36 = tpu.memref_slice %arg10[%add3A_20, %dma_wait3A] : memref<10112x128xf32, #tpu.memory_space<vmem_shared>> -> memref<120x128xf32, #tpu.memory_space<vmem_shared>>
      %dma_wait3A_37 = arith.constant 0 : i32
      %dma_wait3A_38 = arith.constant 0 : i32
      %dma_wait3A_39 = tpu.memref_slice %arg5[%dma_wait3A_37, %dma_wait3A_38] : memref<128x128xf32, #tpu.memory_space<hbm>> -> memref<120x128xf32, #tpu.memory_space<hbm>>
      tpu.wait_dma2 semaphore(%run_scoped3A : memref<!tpu.dma_semaphore, #tpu.memory_space<semaphore_mem>>) src(%dma_wait3A_39 : memref<120x128xf32, #tpu.memory_space<hbm>>) dst(%dma_wait3A_36 : memref<120x128xf32, #tpu.memory_space<vmem_shared>>)
      tpu.yield
    }) : () -> ()
    "tpu.region"() ({
      %run_scoped3A = tpu.sem_alloc : memref<!tpu.dma_semaphore, #tpu.memory_space<semaphore_mem>>
      %dma_start3A = arith.constant 0 : i32
      %dma_start3A_32 = arith.constant 0 : i32
      %dma_start3A_33 = tpu.memref_slice %arg3[%add3A, %dma_start3A, %dma_start3A_32] : memref<32x80x128xi32, #tpu.memory_space<hbm>> -> memref<1x80x128xi32, #tpu.memory_space<hbm>>
      %dma_start3A_34 = tpu.memref_squeeze %dma_start3A_33 : memref<1x80x128xi32, #tpu.memory_space<hbm>> -> memref<80x128xi32, #tpu.memory_space<hbm>>
      %dma_start3A_35 = arith.constant 0 : i32
      %dma_start3A_36 = arith.constant 0 : i32
      %dma_start3A_37 = tpu.memref_slice %arg3[%add3A, %dma_start3A_35, %dma_start3A_36] : memref<32x80x128xi32, #tpu.memory_space<hbm>> -> memref<1x80x128xi32, #tpu.memory_space<hbm>>
      %dma_start3A_38 = tpu.memref_squeeze %dma_start3A_37 : memref<1x80x128xi32, #tpu.memory_space<hbm>> -> memref<80x128xi32, #tpu.memory_space<hbm>>
      tpu.enqueue_dma source(%dma_start3A_38 : memref<80x128xi32, #tpu.memory_space<hbm>>) target(%arg7 : memref<80x128xi32, #tpu.memory_space<vmem>>) target_semaphore(%run_scoped3A : memref<!tpu.dma_semaphore, #tpu.memory_space<semaphore_mem>>)
      %dma_wait3A = arith.constant 0 : i32
      %dma_wait3A_39 = arith.constant 0 : i32
      %dma_wait3A_40 = tpu.memref_slice %arg3[%add3A, %dma_wait3A, %dma_wait3A_39] : memref<32x80x128xi32, #tpu.memory_space<hbm>> -> memref<1x80x128xi32, #tpu.memory_space<hbm>>
      %dma_wait3A_41 = tpu.memref_squeeze %dma_wait3A_40 : memref<1x80x128xi32, #tpu.memory_space<hbm>> -> memref<80x128xi32, #tpu.memory_space<hbm>>
      %dma_wait3A_42 = arith.constant 0 : i32
      %dma_wait3A_43 = arith.constant 0 : i32
      %dma_wait3A_44 = tpu.memref_slice %arg3[%add3A, %dma_wait3A_42, %dma_wait3A_43] : memref<32x80x128xi32, #tpu.memory_space<hbm>> -> memref<1x80x128xi32, #tpu.memory_space<hbm>>
      %dma_wait3A_45 = tpu.memref_squeeze %dma_wait3A_44 : memref<1x80x128xi32, #tpu.memory_space<hbm>> -> memref<80x128xi32, #tpu.memory_space<hbm>>
      tpu.wait_dma2 semaphore(%run_scoped3A : memref<!tpu.dma_semaphore, #tpu.memory_space<semaphore_mem>>) src(%dma_wait3A_45 : memref<80x128xi32, #tpu.memory_space<hbm>>) dst(%arg7 : memref<80x128xi32, #tpu.memory_space<vmem>>)
      tpu.yield
    }) : () -> ()
    "tpu.region"() ({
      %run_scoped3A = tpu.sem_alloc : memref<!tpu.dma_semaphore, #tpu.memory_space<semaphore_mem>>
      %dma_start3A = arith.constant 0 : i32
      %dma_start3A_32 = arith.constant 0 : i32
      %dma_start3A_33 = tpu.memref_slice %arg4[%add3A, %dma_start3A, %dma_start3A_32] : memref<32x80x128xi32, #tpu.memory_space<hbm>> -> memref<1x80x128xi32, #tpu.memory_space<hbm>>
      %dma_start3A_34 = tpu.memref_squeeze %dma_start3A_33 : memref<1x80x128xi32, #tpu.memory_space<hbm>> -> memref<80x128xi32, #tpu.memory_space<hbm>>
      %dma_start3A_35 = arith.constant 0 : i32
      %dma_start3A_36 = arith.constant 0 : i32
      %dma_start3A_37 = tpu.memref_slice %arg4[%add3A, %dma_start3A_35, %dma_start3A_36] : memref<32x80x128xi32, #tpu.memory_space<hbm>> -> memref<1x80x128xi32, #tpu.memory_space<hbm>>
      %dma_start3A_38 = tpu.memref_squeeze %dma_start3A_37 : memref<1x80x128xi32, #tpu.memory_space<hbm>> -> memref<80x128xi32, #tpu.memory_space<hbm>>
      tpu.enqueue_dma source(%dma_start3A_38 : memref<80x128xi32, #tpu.memory_space<hbm>>) target(%arg8 : memref<80x128xi32, #tpu.memory_space<vmem>>) target_semaphore(%run_scoped3A : memref<!tpu.dma_semaphore, #tpu.memory_space<semaphore_mem>>)
      %dma_wait3A = arith.constant 0 : i32
      %dma_wait3A_39 = arith.constant 0 : i32
      %dma_wait3A_40 = tpu.memref_slice %arg4[%add3A, %dma_wait3A, %dma_wait3A_39] : memref<32x80x128xi32, #tpu.memory_space<hbm>> -> memref<1x80x128xi32, #tpu.memory_space<hbm>>
      %dma_wait3A_41 = tpu.memref_squeeze %dma_wait3A_40 : memref<1x80x128xi32, #tpu.memory_space<hbm>> -> memref<80x128xi32, #tpu.memory_space<hbm>>
      %dma_wait3A_42 = arith.constant 0 : i32
      %dma_wait3A_43 = arith.constant 0 : i32
      %dma_wait3A_44 = tpu.memref_slice %arg4[%add3A, %dma_wait3A_42, %dma_wait3A_43] : memref<32x80x128xi32, #tpu.memory_space<hbm>> -> memref<1x80x128xi32, #tpu.memory_space<hbm>>
      %dma_wait3A_45 = tpu.memref_squeeze %dma_wait3A_44 : memref<1x80x128xi32, #tpu.memory_space<hbm>> -> memref<80x128xi32, #tpu.memory_space<hbm>>
      tpu.wait_dma2 semaphore(%run_scoped3A : memref<!tpu.dma_semaphore, #tpu.memory_space<semaphore_mem>>) src(%dma_wait3A_45 : memref<80x128xi32, #tpu.memory_space<hbm>>) dst(%arg8 : memref<80x128xi32, #tpu.memory_space<vmem>>)
      tpu.yield
    }) : () -> ()
    %barrier3A = arith.constant 0 : index
    tpu.barrier barrier_id(%barrier3A)
    %scan3A = arith.constant 0 : i32
    %scan3A_21 = arith.constant 0 : i32
    %scan3A_22 = arith.constant 80 : i32
    %scan3A_23 = arith.addi %scan3A_21, %scan3A_22 : i32
    %scan3A_24 = arith.constant 1 : i32
    %scan3A_25 = scf.for %scan3A_32 = %scan3A_21 to %scan3A_23 step %scan3A_24 iter_args(%scan3A_33 = %scan3A) -> (i32)  : i32 {
      %dma_start3A = arith.constant 0 : i32
      %dma_start3A_34 = tpu.memref_slice %arg7[%scan3A_32, %dma_start3A] : memref<80x128xi32, #tpu.memory_space<vmem>> -> memref<1x128xi32, #tpu.memory_space<vmem>>
      %dma_start3A_35 = tpu.memref_squeeze %dma_start3A_34 : memref<1x128xi32, #tpu.memory_space<vmem>> -> memref<128xi32, #tpu.memory_space<vmem>>
      %dma_start3A_36 = arith.constant 0 : i32
      %dma_start3A_37 = arith.constant 0 : i32
      %dma_start3A_38 = tpu.memref_slice %arg2[%dma_start3A_36, %dma_start3A_37] : memref<10000x128xf32, #tpu.memory_space<hbm>> -> memref<10000x128xf32, #tpu.memory_space<hbm>>
      tpu.enqueue_indirect_dma source(%dma_start3A_38 : memref<10000x128xf32, #tpu.memory_space<hbm>>) target(%arg9 : memref<128x128xf32, #tpu.memory_space<vmem>>) offsets(%dma_start3A_35 : memref<128xi32, #tpu.memory_space<vmem>>) semaphore(%arg11 : memref<!tpu.dma_semaphore, #tpu.memory_space<semaphore_mem>>)
      %dma_wait3A = arith.constant 0 : i32
      %dma_wait3A_39 = tpu.memref_slice %arg7[%scan3A_32, %dma_wait3A] : memref<80x128xi32, #tpu.memory_space<vmem>> -> memref<1x128xi32, #tpu.memory_space<vmem>>
      %dma_wait3A_40 = tpu.memref_squeeze %dma_wait3A_39 : memref<1x128xi32, #tpu.memory_space<vmem>> -> memref<128xi32, #tpu.memory_space<vmem>>
      %dma_wait3A_41 = arith.constant 0 : i32
      %dma_wait3A_42 = arith.constant 0 : i32
      %dma_wait3A_43 = tpu.memref_slice %arg2[%dma_wait3A_41, %dma_wait3A_42] : memref<10000x128xf32, #tpu.memory_space<hbm>> -> memref<10000x128xf32, #tpu.memory_space<hbm>>
      tpu.wait_indirect_dma semaphore(%arg11 : memref<!tpu.dma_semaphore, #tpu.memory_space<semaphore_mem>>) src(%dma_wait3A_43 : memref<10000x128xf32, #tpu.memory_space<hbm>>) dst(%arg9 : memref<128x128xf32, #tpu.memory_space<vmem>>)
      "tpu.region"() ({
        %run_scoped3A = tpu.sem_alloc : memref<!tpu.dma_semaphore, #tpu.memory_space<semaphore_mem>>
        %dma_start3A_45 = arith.constant 0 : i32
        %dma_start3A_46 = tpu.memref_slice %arg8[%scan3A_32, %dma_start3A_45] : memref<80x128xi32, #tpu.memory_space<vmem>> -> memref<1x128xi32, #tpu.memory_space<vmem>>
        %dma_start3A_47 = tpu.memref_squeeze %dma_start3A_46 : memref<1x128xi32, #tpu.memory_space<vmem>> -> memref<128xi32, #tpu.memory_space<vmem>>
        %dma_start3A_48 = arith.constant 0 : i32
        %dma_start3A_49 = arith.constant 0 : i32
        %dma_start3A_50 = tpu.memref_slice %arg10[%dma_start3A_48, %dma_start3A_49] : memref<10112x128xf32, #tpu.memory_space<vmem_shared>> -> memref<10112x128xf32, #tpu.memory_space<vmem_shared>>
        tpu.enqueue_indirect_dma source(%arg9 : memref<128x128xf32, #tpu.memory_space<vmem>>) target(%dma_start3A_50 : memref<10112x128xf32, #tpu.memory_space<vmem_shared>>) offsets(%dma_start3A_47 : memref<128xi32, #tpu.memory_space<vmem>>) semaphore(%run_scoped3A : memref<!tpu.dma_semaphore, #tpu.memory_space<semaphore_mem>>) {add = true}
        %dma_wait3A_51 = arith.constant 0 : i32
        %dma_wait3A_52 = tpu.memref_slice %arg8[%scan3A_32, %dma_wait3A_51] : memref<80x128xi32, #tpu.memory_space<vmem>> -> memref<1x128xi32, #tpu.memory_space<vmem>>
        %dma_wait3A_53 = tpu.memref_squeeze %dma_wait3A_52 : memref<1x128xi32, #tpu.memory_space<vmem>> -> memref<128xi32, #tpu.memory_space<vmem>>
        %dma_wait3A_54 = arith.constant 0 : i32
        %dma_wait3A_55 = arith.constant 0 : i32
        %dma_wait3A_56 = tpu.memref_slice %arg10[%dma_wait3A_54, %dma_wait3A_55] : memref<10112x128xf32, #tpu.memory_space<vmem_shared>> -> memref<10112x128xf32, #tpu.memory_space<vmem_shared>>
        tpu.wait_indirect_dma semaphore(%run_scoped3A : memref<!tpu.dma_semaphore, #tpu.memory_space<semaphore_mem>>) src(%arg9 : memref<128x128xf32, #tpu.memory_space<vmem>>) dst(%dma_wait3A_56 : memref<10112x128xf32, #tpu.memory_space<vmem_shared>>)
        tpu.yield
      }) : () -> ()
      %scan3A_44 = arith.constant 0 : i32
      scf.yield %scan3A_44 : i32
    }
    %scan3A_26 = arith.constant 80 : i32
    %barrier3A_27 = arith.constant 0 : index
    tpu.barrier barrier_id(%barrier3A_27)
    %mul3A_28 = arith.constant 632 : i32
    %mul3A_29 = arith.muli %arg1, %mul3A_28 : i32
    %mul3A_30 = arith.constant 632 : i32
    %mul3A_31 = arith.muli %arg1, %mul3A_30 : i32
    "tpu.region"() ({
      %run_scoped3A = tpu.sem_alloc : memref<!tpu.dma_semaphore, #tpu.memory_space<semaphore_mem>>
      %dma_start3A = arith.constant 0 : i32
      %dma_start3A_32 = tpu.memref_slice %arg6[%arg0, %mul3A_31, %dma_start3A] : memref<2x10112x128xf32, #tpu.memory_space<hbm>> -> memref<1x632x128xf32, #tpu.memory_space<hbm>>
      %dma_start3A_33 = tpu.memref_squeeze %dma_start3A_32 : memref<1x632x128xf32, #tpu.memory_space<hbm>> -> memref<632x128xf32, #tpu.memory_space<hbm>>
      %dma_start3A_34 = arith.constant 0 : i32
      %dma_start3A_35 = tpu.memref_slice %arg10[%mul3A_29, %dma_start3A_34] : memref<10112x128xf32, #tpu.memory_space<vmem_shared>> -> memref<632x128xf32, #tpu.memory_space<vmem_shared>>
      tpu.enqueue_dma source(%dma_start3A_35 : memref<632x128xf32, #tpu.memory_space<vmem_shared>>) target(%dma_start3A_33 : memref<632x128xf32, #tpu.memory_space<hbm>>) target_semaphore(%run_scoped3A : memref<!tpu.dma_semaphore, #tpu.memory_space<semaphore_mem>>)
      %dma_wait3A = arith.constant 0 : i32
      %dma_wait3A_36 = tpu.memref_slice %arg6[%arg0, %mul3A_31, %dma_wait3A] : memref<2x10112x128xf32, #tpu.memory_space<hbm>> -> memref<1x632x128xf32, #tpu.memory_space<hbm>>
      %dma_wait3A_37 = tpu.memref_squeeze %dma_wait3A_36 : memref<1x632x128xf32, #tpu.memory_space<hbm>> -> memref<632x128xf32, #tpu.memory_space<hbm>>
      %dma_wait3A_38 = arith.constant 0 : i32
      %dma_wait3A_39 = tpu.memref_slice %arg10[%mul3A_29, %dma_wait3A_38] : memref<10112x128xf32, #tpu.memory_space<vmem_shared>> -> memref<632x128xf32, #tpu.memory_space<vmem_shared>>
      tpu.wait_dma2 semaphore(%run_scoped3A : memref<!tpu.dma_semaphore, #tpu.memory_space<semaphore_mem>>) src(%dma_wait3A_39 : memref<632x128xf32, #tpu.memory_space<vmem_shared>>) dst(%dma_wait3A_37 : memref<632x128xf32, #tpu.memory_space<hbm>>)
      tpu.yield
    }) : () -> ()
    return
  }
}

#map = affine_map<(d0, d1) -> (0, 0, 0)>
#map1 = affine_map<(d0, d1) -> (0, 0)>
module attributes {stable_mosaic.version = 14 : i64} {
  func.func @_deg_kernel(%arg0: i32, %arg1: i32, %arg2: memref<32x80x128xi32, #tpu.memory_space<hbm>>, %arg3: memref<128x128xf32, #tpu.memory_space<hbm>>, %arg4: memref<128x128xf32, #tpu.memory_space<hbm>>, %arg5: memref<2x10112x128xf32, #tpu.memory_space<hbm>>, %arg6: memref<80x128xi32, #tpu.memory_space<vmem>>, %arg7: memref<128x128xf32, #tpu.memory_space<vmem>>, %arg8: memref<10112x128xf32, #tpu.memory_space<vmem_shared>>) attributes {dimension_semantics = [#tpu.dimension_semantics<core_parallel>, #tpu.dimension_semantics<subcore_parallel>], iteration_bounds = array<i64: 2, 16>, scalar_prefetch = 0 : i64, scratch_operands = 3 : i64, tpu.core_type = #tpu.core_type<sc_vector_subcore>, window_params = [{transform_indices = #map}, {transform_indices = #map1}, {transform_indices = #map1}, {transform_indices = #map}]} {
    %mul3A = arith.constant 16 : i32
    %mul3A_0 = arith.muli %arg0, %mul3A : i32
    %add3A = arith.addi %mul3A_0, %arg1 : i32
    %mul3A_1 = arith.constant 632 : i32
    %mul3A_2 = arith.muli %arg1, %mul3A_1 : i32
    %add3A_3 = arith.constant 0 : i32
    %add3A_4 = arith.addi %mul3A_2, %add3A_3 : i32
    "tpu.region"() ({
      %run_scoped3A = tpu.sem_alloc : memref<!tpu.dma_semaphore, #tpu.memory_space<semaphore_mem>>
      %dma_start3A = arith.constant 0 : i32
      %dma_start3A_32 = tpu.memref_slice %arg8[%add3A_4, %dma_start3A] : memref<10112x128xf32, #tpu.memory_space<vmem_shared>> -> memref<128x128xf32, #tpu.memory_space<vmem_shared>>
      tpu.enqueue_dma source(%arg4 : memref<128x128xf32, #tpu.memory_space<hbm>>) target(%dma_start3A_32 : memref<128x128xf32, #tpu.memory_space<vmem_shared>>) target_semaphore(%run_scoped3A : memref<!tpu.dma_semaphore, #tpu.memory_space<semaphore_mem>>)
      %dma_wait3A = arith.constant 0 : i32
      %dma_wait3A_33 = tpu.memref_slice %arg8[%add3A_4, %dma_wait3A] : memref<10112x128xf32, #tpu.memory_space<vmem_shared>> -> memref<128x128xf32, #tpu.memory_space<vmem_shared>>
      tpu.wait_dma2 semaphore(%run_scoped3A : memref<!tpu.dma_semaphore, #tpu.memory_space<semaphore_mem>>) src(%arg4 : memref<128x128xf32, #tpu.memory_space<hbm>>) dst(%dma_wait3A_33 : memref<128x128xf32, #tpu.memory_space<vmem_shared>>)
      tpu.yield
    }) : () -> ()
    %mul3A_5 = arith.constant 632 : i32
    %mul3A_6 = arith.muli %arg1, %mul3A_5 : i32
    %add3A_7 = arith.constant 128 : i32
    %add3A_8 = arith.addi %mul3A_6, %add3A_7 : i32
    "tpu.region"() ({
      %run_scoped3A = tpu.sem_alloc : memref<!tpu.dma_semaphore, #tpu.memory_space<semaphore_mem>>
      %dma_start3A = arith.constant 0 : i32
      %dma_start3A_32 = tpu.memref_slice %arg8[%add3A_8, %dma_start3A] : memref<10112x128xf32, #tpu.memory_space<vmem_shared>> -> memref<128x128xf32, #tpu.memory_space<vmem_shared>>
      tpu.enqueue_dma source(%arg4 : memref<128x128xf32, #tpu.memory_space<hbm>>) target(%dma_start3A_32 : memref<128x128xf32, #tpu.memory_space<vmem_shared>>) target_semaphore(%run_scoped3A : memref<!tpu.dma_semaphore, #tpu.memory_space<semaphore_mem>>)
      %dma_wait3A = arith.constant 0 : i32
      %dma_wait3A_33 = tpu.memref_slice %arg8[%add3A_8, %dma_wait3A] : memref<10112x128xf32, #tpu.memory_space<vmem_shared>> -> memref<128x128xf32, #tpu.memory_space<vmem_shared>>
      tpu.wait_dma2 semaphore(%run_scoped3A : memref<!tpu.dma_semaphore, #tpu.memory_space<semaphore_mem>>) src(%arg4 : memref<128x128xf32, #tpu.memory_space<hbm>>) dst(%dma_wait3A_33 : memref<128x128xf32, #tpu.memory_space<vmem_shared>>)
      tpu.yield
    }) : () -> ()
    %mul3A_9 = arith.constant 632 : i32
    %mul3A_10 = arith.muli %arg1, %mul3A_9 : i32
    %add3A_11 = arith.constant 256 : i32
    %add3A_12 = arith.addi %mul3A_10, %add3A_11 : i32
    "tpu.region"() ({
      %run_scoped3A = tpu.sem_alloc : memref<!tpu.dma_semaphore, #tpu.memory_space<semaphore_mem>>
      %dma_start3A = arith.constant 0 : i32
      %dma_start3A_32 = tpu.memref_slice %arg8[%add3A_12, %dma_start3A] : memref<10112x128xf32, #tpu.memory_space<vmem_shared>> -> memref<128x128xf32, #tpu.memory_space<vmem_shared>>
      tpu.enqueue_dma source(%arg4 : memref<128x128xf32, #tpu.memory_space<hbm>>) target(%dma_start3A_32 : memref<128x128xf32, #tpu.memory_space<vmem_shared>>) target_semaphore(%run_scoped3A : memref<!tpu.dma_semaphore, #tpu.memory_space<semaphore_mem>>)
      %dma_wait3A = arith.constant 0 : i32
      %dma_wait3A_33 = tpu.memref_slice %arg8[%add3A_12, %dma_wait3A] : memref<10112x128xf32, #tpu.memory_space<vmem_shared>> -> memref<128x128xf32, #tpu.memory_space<vmem_shared>>
      tpu.wait_dma2 semaphore(%run_scoped3A : memref<!tpu.dma_semaphore, #tpu.memory_space<semaphore_mem>>) src(%arg4 : memref<128x128xf32, #tpu.memory_space<hbm>>) dst(%dma_wait3A_33 : memref<128x128xf32, #tpu.memory_space<vmem_shared>>)
      tpu.yield
    }) : () -> ()
    %mul3A_13 = arith.constant 632 : i32
    %mul3A_14 = arith.muli %arg1, %mul3A_13 : i32
    %add3A_15 = arith.constant 384 : i32
    %add3A_16 = arith.addi %mul3A_14, %add3A_15 : i32
    "tpu.region"() ({
      %run_scoped3A = tpu.sem_alloc : memref<!tpu.dma_semaphore, #tpu.memory_space<semaphore_mem>>
      %dma_start3A = arith.constant 0 : i32
      %dma_start3A_32 = tpu.memref_slice %arg8[%add3A_16, %dma_start3A] : memref<10112x128xf32, #tpu.memory_space<vmem_shared>> -> memref<128x128xf32, #tpu.memory_space<vmem_shared>>
      tpu.enqueue_dma source(%arg4 : memref<128x128xf32, #tpu.memory_space<hbm>>) target(%dma_start3A_32 : memref<128x128xf32, #tpu.memory_space<vmem_shared>>) target_semaphore(%run_scoped3A : memref<!tpu.dma_semaphore, #tpu.memory_space<semaphore_mem>>)
      %dma_wait3A = arith.constant 0 : i32
      %dma_wait3A_33 = tpu.memref_slice %arg8[%add3A_16, %dma_wait3A] : memref<10112x128xf32, #tpu.memory_space<vmem_shared>> -> memref<128x128xf32, #tpu.memory_space<vmem_shared>>
      tpu.wait_dma2 semaphore(%run_scoped3A : memref<!tpu.dma_semaphore, #tpu.memory_space<semaphore_mem>>) src(%arg4 : memref<128x128xf32, #tpu.memory_space<hbm>>) dst(%dma_wait3A_33 : memref<128x128xf32, #tpu.memory_space<vmem_shared>>)
      tpu.yield
    }) : () -> ()
    %mul3A_17 = arith.constant 632 : i32
    %mul3A_18 = arith.muli %arg1, %mul3A_17 : i32
    %add3A_19 = arith.constant 512 : i32
    %add3A_20 = arith.addi %mul3A_18, %add3A_19 : i32
    "tpu.region"() ({
      %run_scoped3A = tpu.sem_alloc : memref<!tpu.dma_semaphore, #tpu.memory_space<semaphore_mem>>
      %dma_start3A = arith.constant 0 : i32
      %dma_start3A_32 = tpu.memref_slice %arg8[%add3A_20, %dma_start3A] : memref<10112x128xf32, #tpu.memory_space<vmem_shared>> -> memref<120x128xf32, #tpu.memory_space<vmem_shared>>
      %dma_start3A_33 = arith.constant 0 : i32
      %dma_start3A_34 = arith.constant 0 : i32
      %dma_start3A_35 = tpu.memref_slice %arg4[%dma_start3A_33, %dma_start3A_34] : memref<128x128xf32, #tpu.memory_space<hbm>> -> memref<120x128xf32, #tpu.memory_space<hbm>>
      tpu.enqueue_dma source(%dma_start3A_35 : memref<120x128xf32, #tpu.memory_space<hbm>>) target(%dma_start3A_32 : memref<120x128xf32, #tpu.memory_space<vmem_shared>>) target_semaphore(%run_scoped3A : memref<!tpu.dma_semaphore, #tpu.memory_space<semaphore_mem>>)
      %dma_wait3A = arith.constant 0 : i32
      %dma_wait3A_36 = tpu.memref_slice %arg8[%add3A_20, %dma_wait3A] : memref<10112x128xf32, #tpu.memory_space<vmem_shared>> -> memref<120x128xf32, #tpu.memory_space<vmem_shared>>
      %dma_wait3A_37 = arith.constant 0 : i32
      %dma_wait3A_38 = arith.constant 0 : i32
      %dma_wait3A_39 = tpu.memref_slice %arg4[%dma_wait3A_37, %dma_wait3A_38] : memref<128x128xf32, #tpu.memory_space<hbm>> -> memref<120x128xf32, #tpu.memory_space<hbm>>
      tpu.wait_dma2 semaphore(%run_scoped3A : memref<!tpu.dma_semaphore, #tpu.memory_space<semaphore_mem>>) src(%dma_wait3A_39 : memref<120x128xf32, #tpu.memory_space<hbm>>) dst(%dma_wait3A_36 : memref<120x128xf32, #tpu.memory_space<vmem_shared>>)
      tpu.yield
    }) : () -> ()
    "tpu.region"() ({
      %run_scoped3A = tpu.sem_alloc : memref<!tpu.dma_semaphore, #tpu.memory_space<semaphore_mem>>
      tpu.enqueue_dma source(%arg3 : memref<128x128xf32, #tpu.memory_space<hbm>>) target(%arg7 : memref<128x128xf32, #tpu.memory_space<vmem>>) target_semaphore(%run_scoped3A : memref<!tpu.dma_semaphore, #tpu.memory_space<semaphore_mem>>)
      tpu.wait_dma2 semaphore(%run_scoped3A : memref<!tpu.dma_semaphore, #tpu.memory_space<semaphore_mem>>) src(%arg3 : memref<128x128xf32, #tpu.memory_space<hbm>>) dst(%arg7 : memref<128x128xf32, #tpu.memory_space<vmem>>)
      tpu.yield
    }) : () -> ()
    "tpu.region"() ({
      %run_scoped3A = tpu.sem_alloc : memref<!tpu.dma_semaphore, #tpu.memory_space<semaphore_mem>>
      %dma_start3A = arith.constant 0 : i32
      %dma_start3A_32 = arith.constant 0 : i32
      %dma_start3A_33 = tpu.memref_slice %arg2[%add3A, %dma_start3A, %dma_start3A_32] : memref<32x80x128xi32, #tpu.memory_space<hbm>> -> memref<1x80x128xi32, #tpu.memory_space<hbm>>
      %dma_start3A_34 = tpu.memref_squeeze %dma_start3A_33 : memref<1x80x128xi32, #tpu.memory_space<hbm>> -> memref<80x128xi32, #tpu.memory_space<hbm>>
      %dma_start3A_35 = arith.constant 0 : i32
      %dma_start3A_36 = arith.constant 0 : i32
      %dma_start3A_37 = tpu.memref_slice %arg2[%add3A, %dma_start3A_35, %dma_start3A_36] : memref<32x80x128xi32, #tpu.memory_space<hbm>> -> memref<1x80x128xi32, #tpu.memory_space<hbm>>
      %dma_start3A_38 = tpu.memref_squeeze %dma_start3A_37 : memref<1x80x128xi32, #tpu.memory_space<hbm>> -> memref<80x128xi32, #tpu.memory_space<hbm>>
      tpu.enqueue_dma source(%dma_start3A_38 : memref<80x128xi32, #tpu.memory_space<hbm>>) target(%arg6 : memref<80x128xi32, #tpu.memory_space<vmem>>) target_semaphore(%run_scoped3A : memref<!tpu.dma_semaphore, #tpu.memory_space<semaphore_mem>>)
      %dma_wait3A = arith.constant 0 : i32
      %dma_wait3A_39 = arith.constant 0 : i32
      %dma_wait3A_40 = tpu.memref_slice %arg2[%add3A, %dma_wait3A, %dma_wait3A_39] : memref<32x80x128xi32, #tpu.memory_space<hbm>> -> memref<1x80x128xi32, #tpu.memory_space<hbm>>
      %dma_wait3A_41 = tpu.memref_squeeze %dma_wait3A_40 : memref<1x80x128xi32, #tpu.memory_space<hbm>> -> memref<80x128xi32, #tpu.memory_space<hbm>>
      %dma_wait3A_42 = arith.constant 0 : i32
      %dma_wait3A_43 = arith.constant 0 : i32
      %dma_wait3A_44 = tpu.memref_slice %arg2[%add3A, %dma_wait3A_42, %dma_wait3A_43] : memref<32x80x128xi32, #tpu.memory_space<hbm>> -> memref<1x80x128xi32, #tpu.memory_space<hbm>>
      %dma_wait3A_45 = tpu.memref_squeeze %dma_wait3A_44 : memref<1x80x128xi32, #tpu.memory_space<hbm>> -> memref<80x128xi32, #tpu.memory_space<hbm>>
      tpu.wait_dma2 semaphore(%run_scoped3A : memref<!tpu.dma_semaphore, #tpu.memory_space<semaphore_mem>>) src(%dma_wait3A_45 : memref<80x128xi32, #tpu.memory_space<hbm>>) dst(%arg6 : memref<80x128xi32, #tpu.memory_space<vmem>>)
      tpu.yield
    }) : () -> ()
    %barrier3A = arith.constant 0 : index
    tpu.barrier barrier_id(%barrier3A)
    %scan3A = arith.constant 0 : i32
    %scan3A_21 = arith.constant 0 : i32
    %scan3A_22 = arith.constant 80 : i32
    %scan3A_23 = arith.addi %scan3A_21, %scan3A_22 : i32
    %scan3A_24 = arith.constant 1 : i32
    %scan3A_25 = scf.for %scan3A_32 = %scan3A_21 to %scan3A_23 step %scan3A_24 iter_args(%scan3A_33 = %scan3A) -> (i32)  : i32 {
      "tpu.region"() ({
        %run_scoped3A = tpu.sem_alloc : memref<!tpu.dma_semaphore, #tpu.memory_space<semaphore_mem>>
        %dma_start3A = arith.constant 0 : i32
        %dma_start3A_35 = tpu.memref_slice %arg6[%scan3A_32, %dma_start3A] : memref<80x128xi32, #tpu.memory_space<vmem>> -> memref<1x128xi32, #tpu.memory_space<vmem>>
        %dma_start3A_36 = tpu.memref_squeeze %dma_start3A_35 : memref<1x128xi32, #tpu.memory_space<vmem>> -> memref<128xi32, #tpu.memory_space<vmem>>
        %dma_start3A_37 = arith.constant 0 : i32
        %dma_start3A_38 = arith.constant 0 : i32
        %dma_start3A_39 = tpu.memref_slice %arg8[%dma_start3A_37, %dma_start3A_38] : memref<10112x128xf32, #tpu.memory_space<vmem_shared>> -> memref<10112x128xf32, #tpu.memory_space<vmem_shared>>
        tpu.enqueue_indirect_dma source(%arg7 : memref<128x128xf32, #tpu.memory_space<vmem>>) target(%dma_start3A_39 : memref<10112x128xf32, #tpu.memory_space<vmem_shared>>) offsets(%dma_start3A_36 : memref<128xi32, #tpu.memory_space<vmem>>) semaphore(%run_scoped3A : memref<!tpu.dma_semaphore, #tpu.memory_space<semaphore_mem>>) {add = true}
        %dma_wait3A = arith.constant 0 : i32
        %dma_wait3A_40 = tpu.memref_slice %arg6[%scan3A_32, %dma_wait3A] : memref<80x128xi32, #tpu.memory_space<vmem>> -> memref<1x128xi32, #tpu.memory_space<vmem>>
        %dma_wait3A_41 = tpu.memref_squeeze %dma_wait3A_40 : memref<1x128xi32, #tpu.memory_space<vmem>> -> memref<128xi32, #tpu.memory_space<vmem>>
        %dma_wait3A_42 = arith.constant 0 : i32
        %dma_wait3A_43 = arith.constant 0 : i32
        %dma_wait3A_44 = tpu.memref_slice %arg8[%dma_wait3A_42, %dma_wait3A_43] : memref<10112x128xf32, #tpu.memory_space<vmem_shared>> -> memref<10112x128xf32, #tpu.memory_space<vmem_shared>>
        tpu.wait_indirect_dma semaphore(%run_scoped3A : memref<!tpu.dma_semaphore, #tpu.memory_space<semaphore_mem>>) src(%arg7 : memref<128x128xf32, #tpu.memory_space<vmem>>) dst(%dma_wait3A_44 : memref<10112x128xf32, #tpu.memory_space<vmem_shared>>)
        tpu.yield
      }) : () -> ()
      %scan3A_34 = arith.constant 0 : i32
      scf.yield %scan3A_34 : i32
    }
    %scan3A_26 = arith.constant 80 : i32
    %barrier3A_27 = arith.constant 0 : index
    tpu.barrier barrier_id(%barrier3A_27)
    %mul3A_28 = arith.constant 632 : i32
    %mul3A_29 = arith.muli %arg1, %mul3A_28 : i32
    %mul3A_30 = arith.constant 632 : i32
    %mul3A_31 = arith.muli %arg1, %mul3A_30 : i32
    "tpu.region"() ({
      %run_scoped3A = tpu.sem_alloc : memref<!tpu.dma_semaphore, #tpu.memory_space<semaphore_mem>>
      %dma_start3A = arith.constant 0 : i32
      %dma_start3A_32 = tpu.memref_slice %arg5[%arg0, %mul3A_31, %dma_start3A] : memref<2x10112x128xf32, #tpu.memory_space<hbm>> -> memref<1x632x128xf32, #tpu.memory_space<hbm>>
      %dma_start3A_33 = tpu.memref_squeeze %dma_start3A_32 : memref<1x632x128xf32, #tpu.memory_space<hbm>> -> memref<632x128xf32, #tpu.memory_space<hbm>>
      %dma_start3A_34 = arith.constant 0 : i32
      %dma_start3A_35 = tpu.memref_slice %arg8[%mul3A_29, %dma_start3A_34] : memref<10112x128xf32, #tpu.memory_space<vmem_shared>> -> memref<632x128xf32, #tpu.memory_space<vmem_shared>>
      tpu.enqueue_dma source(%dma_start3A_35 : memref<632x128xf32, #tpu.memory_space<vmem_shared>>) target(%dma_start3A_33 : memref<632x128xf32, #tpu.memory_space<hbm>>) target_semaphore(%run_scoped3A : memref<!tpu.dma_semaphore, #tpu.memory_space<semaphore_mem>>)
      %dma_wait3A = arith.constant 0 : i32
      %dma_wait3A_36 = tpu.memref_slice %arg5[%arg0, %mul3A_31, %dma_wait3A] : memref<2x10112x128xf32, #tpu.memory_space<hbm>> -> memref<1x632x128xf32, #tpu.memory_space<hbm>>
      %dma_wait3A_37 = tpu.memref_squeeze %dma_wait3A_36 : memref<1x632x128xf32, #tpu.memory_space<hbm>> -> memref<632x128xf32, #tpu.memory_space<hbm>>
      %dma_wait3A_38 = arith.constant 0 : i32
      %dma_wait3A_39 = tpu.memref_slice %arg8[%mul3A_29, %dma_wait3A_38] : memref<10112x128xf32, #tpu.memory_space<vmem_shared>> -> memref<632x128xf32, #tpu.memory_space<vmem_shared>>
      tpu.wait_dma2 semaphore(%run_scoped3A : memref<!tpu.dma_semaphore, #tpu.memory_space<semaphore_mem>>) src(%dma_wait3A_39 : memref<632x128xf32, #tpu.memory_space<vmem_shared>>) dst(%dma_wait3A_37 : memref<632x128xf32, #tpu.memory_space<hbm>>)
      tpu.yield
    }) : () -> ()
    return
  }
}

module attributes {stable_mosaic.version = 14 : i64} {
  func.func @_tc1_body(%arg0: i32, %arg1: memref<400x128xf32, #tpu.memory_space<vmem>>, %arg2: memref<128x128xf32, #tpu.memory_space<vmem>>, %arg3: memref<2x400x128xf32, #tpu.memory_space<vmem>>, %arg4: memref<400x128xf32, #tpu.memory_space<vmem>>) attributes {dimension_semantics = [#tpu.dimension_semantics<arbitrary>], iteration_bounds = array<i64: 25>, scalar_prefetch = 0 : i64, scratch_operands = 0 : i64, tpu.core_type = #tpu.core_type<tc>, window_params = [{transform_indices = @transform_0, window_bounds = array<i64: 400, 128>}, {pipeline_mode = #tpu.pipeline_mode<synchronous>, transform_indices = @transform_1, window_bounds = array<i64: 128, 128>}, {transform_indices = @transform_2, window_bounds = array<i64: 2, 400, 128>}, {transform_indices = @transform_3, window_bounds = array<i64: 400, 128>}]} {
    %get3A = arith.constant 0 : index
    %get3A_0 = arith.constant 0 : index
    %get3A_1 = arith.constant 0 : index
    %get3A_2 = vector.load %arg3[%get3A, %get3A_0, %get3A_1] : memref<2x400x128xf32, #tpu.memory_space<vmem>>, vector<2x400x128xf32>
    %slice3A = vector.extract_strided_slice %get3A_2 {offsets = [0, 0, 0], sizes = [1, 400, 1], strides = [1, 1, 1]} : vector<2x400x128xf32> to vector<1x400x1xf32>
    %squeeze3A = vector.shape_cast %slice3A : vector<1x400x1xf32> to vector<400xf32>
    %add3A = arith.constant 1.000000e+00 : f32
    %add3A_3 = vector.broadcast %add3A : f32 to vector<400xf32>
    %add3A_4 = arith.addf %add3A_3, %squeeze3A : vector<400xf32>
    %slice3A_5 = vector.extract_strided_slice %get3A_2 {offsets = [1, 0, 0], sizes = [1, 400, 1], strides = [1, 1, 1]} : vector<2x400x128xf32> to vector<1x400x1xf32>
    %squeeze3A_6 = vector.shape_cast %slice3A_5 : vector<1x400x1xf32> to vector<400xf32>
    %add3A_7 = arith.addf %add3A_4, %squeeze3A_6 : vector<400xf32>
    %rsqrt3A = math.rsqrt %add3A_7 : vector<400xf32>
    %broadcast_in_dim3A = vector.shape_cast %rsqrt3A : vector<400xf32> to vector<400x1xf32>
    %get3A_8 = arith.constant 0 : index
    %get3A_9 = arith.constant 0 : index
    %get3A_10 = vector.load %arg1[%get3A_8, %get3A_9] : memref<400x128xf32, #tpu.memory_space<vmem>>, vector<400x128xf32>
    %get3A_11 = arith.constant 0 : index
    %get3A_12 = arith.constant 0 : index
    %get3A_13 = vector.load %arg2[%get3A_11, %get3A_12] : memref<128x128xf32, #tpu.memory_space<vmem>>, vector<128x128xf32>
    %dot_general3A = arith.constant dense<0.000000e+00> : vector<400x128xf32>
    %dot_general3A_14 = tpu.matmul %get3A_10, %get3A_13, %dot_general3A {dimension_numbers = #tpu.dot_dimension_numbers<[1], [0], [0], [1], [0, 0, 1, 1], [], []>, transpose_lhs_hint = false} : vector<400x128xf32>, vector<128x128xf32>, vector<400x128xf32> -> vector<400x128xf32>
    %mul3A = vector.broadcast %broadcast_in_dim3A : vector<400x1xf32> to vector<400x128xf32>
    %mul3A_15 = arith.mulf %mul3A, %dot_general3A_14 : vector<400x128xf32>
    %swap3A = arith.constant 0 : index
    %swap3A_16 = arith.constant 0 : index
    %swap3A_17 = vector.load %arg4[%swap3A, %swap3A_16] : memref<400x128xf32, #tpu.memory_space<vmem>>, vector<400x128xf32>
    tpu.vector_store %arg4[%swap3A, %swap3A_16], %mul3A_15 {strides = array<i32>} : memref<400x128xf32, #tpu.memory_space<vmem>>, vector<400x128xf32>,
    return
  }
  func.func @transform_0(%arg0: i32) -> (i32, i32) {
    %c0_i32 = arith.constant 0 : i32
    %c0_i32_0 = arith.constant 0 : i32
    return %arg0, %c0_i32 : i32, i32
  }
  func.func @transform_1(%arg0: i32) -> (i32, i32) {
    %c0_i32 = arith.constant 0 : i32
    %c0_i32_0 = arith.constant 0 : i32
    %c0_i32_1 = arith.constant 0 : i32
    return %c0_i32, %c0_i32_0 : i32, i32
  }
  func.func @transform_2(%arg0: i32) -> (i32, i32, i32) {
    %c0_i32 = arith.constant 0 : i32
    %c0_i32_0 = arith.constant 0 : i32
    %c0_i32_1 = arith.constant 0 : i32
    return %c0_i32, %arg0, %c0_i32_0 : i32, i32, i32
  }
  func.func @transform_3(%arg0: i32) -> (i32, i32) {
    %c0_i32 = arith.constant 0 : i32
    %c0_i32_0 = arith.constant 0 : i32
    return %arg0, %c0_i32 : i32, i32
  }
}

module attributes {stable_mosaic.version = 14 : i64} {
  func.func @_tc2_body(%arg0: i32, %arg1: memref<2x400x128xf32, #tpu.memory_space<vmem>>, %arg2: memref<400x128xf32, #tpu.memory_space<vmem>>, %arg3: memref<1x128xf32, #tpu.memory_space<vmem>>, %arg4: memref<128x128xf32, #tpu.memory_space<vmem>>, %arg5: memref<2x400x128xf32, #tpu.memory_space<vmem>>, %arg6: memref<400x128xf32, #tpu.memory_space<vmem>>) attributes {dimension_semantics = [#tpu.dimension_semantics<arbitrary>], iteration_bounds = array<i64: 25>, scalar_prefetch = 0 : i64, scratch_operands = 0 : i64, tpu.core_type = #tpu.core_type<tc>, window_params = [{transform_indices = @transform_0, window_bounds = array<i64: 2, 400, 128>}, {transform_indices = @transform_1, window_bounds = array<i64: 400, 128>}, {pipeline_mode = #tpu.pipeline_mode<synchronous>, transform_indices = @transform_2, window_bounds = array<i64: 1, 128>}, {pipeline_mode = #tpu.pipeline_mode<synchronous>, transform_indices = @transform_3, window_bounds = array<i64: 128, 128>}, {transform_indices = @transform_4, window_bounds = array<i64: 2, 400, 128>}, {transform_indices = @transform_5, window_bounds = array<i64: 400, 128>}]} {
    %get3A = arith.constant 0 : index
    %get3A_0 = arith.constant 0 : index
    %get3A_1 = arith.constant 0 : index
    %get3A_2 = vector.load %arg5[%get3A, %get3A_0, %get3A_1] : memref<2x400x128xf32, #tpu.memory_space<vmem>>, vector<2x400x128xf32>
    %slice3A = vector.extract_strided_slice %get3A_2 {offsets = [0, 0, 0], sizes = [1, 400, 1], strides = [1, 1, 1]} : vector<2x400x128xf32> to vector<1x400x1xf32>
    %squeeze3A = vector.shape_cast %slice3A : vector<1x400x1xf32> to vector<400xf32>
    %add3A = arith.constant 1.000000e+00 : f32
    %add3A_3 = vector.broadcast %add3A : f32 to vector<400xf32>
    %add3A_4 = arith.addf %add3A_3, %squeeze3A : vector<400xf32>
    %slice3A_5 = vector.extract_strided_slice %get3A_2 {offsets = [1, 0, 0], sizes = [1, 400, 1], strides = [1, 1, 1]} : vector<2x400x128xf32> to vector<1x400x1xf32>
    %squeeze3A_6 = vector.shape_cast %slice3A_5 : vector<1x400x1xf32> to vector<400xf32>
    %add3A_7 = arith.addf %add3A_4, %squeeze3A_6 : vector<400xf32>
    %rsqrt3A = math.rsqrt %add3A_7 : vector<400xf32>
    %broadcast_in_dim3A = vector.shape_cast %rsqrt3A : vector<400xf32> to vector<400x1xf32>
    %get3A_8 = arith.constant 0 : index
    %get3A_9 = arith.constant 0 : index
    %get3A_10 = arith.constant 0 : index
    %get3A_11 = vector.load %arg1[%get3A_8, %get3A_9, %get3A_10] : memref<2x400x128xf32, #tpu.memory_space<vmem>>, vector<1x400x128xf32>
    %get3A_12 = vector.shape_cast %get3A_11 : vector<1x400x128xf32> to vector<400x128xf32>
    %get3A_13 = arith.constant 1 : index
    %get3A_14 = arith.constant 0 : index
    %get3A_15 = arith.constant 0 : index
    %get3A_16 = vector.load %arg1[%get3A_13, %get3A_14, %get3A_15] : memref<2x400x128xf32, #tpu.memory_space<vmem>>, vector<1x400x128xf32>
    %get3A_17 = vector.shape_cast %get3A_16 : vector<1x400x128xf32> to vector<400x128xf32>
    %add3A_18 = arith.addf %get3A_12, %get3A_17 : vector<400x128xf32>
    %get3A_19 = arith.constant 0 : index
    %get3A_20 = arith.constant 0 : index
    %get3A_21 = vector.load %arg2[%get3A_19, %get3A_20] : memref<400x128xf32, #tpu.memory_space<vmem>>, vector<400x128xf32>
    %add3A_22 = arith.addf %add3A_18, %get3A_21 : vector<400x128xf32>
    %mul3A = vector.broadcast %broadcast_in_dim3A : vector<400x1xf32> to vector<400x128xf32>
    %mul3A_23 = arith.mulf %mul3A, %add3A_22 : vector<400x128xf32>
    %get3A_24 = arith.constant 0 : index
    %get3A_25 = arith.constant 0 : index
    %get3A_26 = vector.load %arg3[%get3A_24, %get3A_25] : memref<1x128xf32, #tpu.memory_space<vmem>>, vector<1x128xf32>
    %add3A_27 = vector.broadcast %get3A_26 : vector<1x128xf32> to vector<400x128xf32>
    %add3A_28 = arith.addf %mul3A_23, %add3A_27 : vector<400x128xf32>
    %max3A = arith.constant 0.000000e+00 : f32
    %max3A_29 = vector.broadcast %max3A : f32 to vector<400x128xf32>
    %max3A_30 = arith.maximumf %add3A_28, %max3A_29 : vector<400x128xf32>
    %get3A_31 = arith.constant 0 : index
    %get3A_32 = arith.constant 0 : index
    %get3A_33 = vector.load %arg4[%get3A_31, %get3A_32] : memref<128x128xf32, #tpu.memory_space<vmem>>, vector<128x128xf32>
    %dot_general3A = arith.constant dense<0.000000e+00> : vector<400x128xf32>
    %dot_general3A_34 = tpu.matmul %max3A_30, %get3A_33, %dot_general3A {dimension_numbers = #tpu.dot_dimension_numbers<[1], [0], [0], [1], [0, 0, 1, 1], [], []>, transpose_lhs_hint = false} : vector<400x128xf32>, vector<128x128xf32>, vector<400x128xf32> -> vector<400x128xf32>
    %mul3A_35 = vector.broadcast %broadcast_in_dim3A : vector<400x1xf32> to vector<400x128xf32>
    %mul3A_36 = arith.mulf %mul3A_35, %dot_general3A_34 : vector<400x128xf32>
    %swap3A = arith.constant 0 : index
    %swap3A_37 = arith.constant 0 : index
    %swap3A_38 = vector.load %arg6[%swap3A, %swap3A_37] : memref<400x128xf32, #tpu.memory_space<vmem>>, vector<400x128xf32>
    tpu.vector_store %arg6[%swap3A, %swap3A_37], %mul3A_36 {strides = array<i32>} : memref<400x128xf32, #tpu.memory_space<vmem>>, vector<400x128xf32>,
    return
  }
  func.func @transform_0(%arg0: i32) -> (i32, i32, i32) {
    %c0_i32 = arith.constant 0 : i32
    %c0_i32_0 = arith.constant 0 : i32
    %c0_i32_1 = arith.constant 0 : i32
    return %c0_i32, %arg0, %c0_i32_0 : i32, i32, i32
  }
  func.func @transform_1(%arg0: i32) -> (i32, i32) {
    %c0_i32 = arith.constant 0 : i32
    %c0_i32_0 = arith.constant 0 : i32
    return %arg0, %c0_i32 : i32, i32
  }
  func.func @transform_2(%arg0: i32) -> (i32, i32) {
    %c0_i32 = arith.constant 0 : i32
    %c0_i32_0 = arith.constant 0 : i32
    %c0_i32_1 = arith.constant 0 : i32
    return %c0_i32, %c0_i32_0 : i32, i32
  }
  func.func @transform_3(%arg0: i32) -> (i32, i32) {
    %c0_i32 = arith.constant 0 : i32
    %c0_i32_0 = arith.constant 0 : i32
    %c0_i32_1 = arith.constant 0 : i32
    return %c0_i32, %c0_i32_0 : i32, i32
  }
  func.func @transform_4(%arg0: i32) -> (i32, i32, i32) {
    %c0_i32 = arith.constant 0 : i32
    %c0_i32_0 = arith.constant 0 : i32
    %c0_i32_1 = arith.constant 0 : i32
    return %c0_i32, %arg0, %c0_i32_0 : i32, i32, i32
  }
  func.func @transform_5(%arg0: i32) -> (i32, i32) {
    %c0_i32 = arith.constant 0 : i32
    %c0_i32_0 = arith.constant 0 : i32
    return %arg0, %c0_i32 : i32, i32
  }
}

module attributes {stable_mosaic.version = 14 : i64} {
  func.func @_tc3_body(%arg0: i32, %arg1: memref<2x400x128xf32, #tpu.memory_space<vmem>>, %arg2: memref<400x128xf32, #tpu.memory_space<vmem>>, %arg3: memref<1x128xf32, #tpu.memory_space<vmem>>, %arg4: memref<2x400x128xf32, #tpu.memory_space<vmem>>, %arg5: memref<400x128xf32, #tpu.memory_space<vmem>>) attributes {dimension_semantics = [#tpu.dimension_semantics<arbitrary>], iteration_bounds = array<i64: 25>, scalar_prefetch = 0 : i64, scratch_operands = 0 : i64, tpu.core_type = #tpu.core_type<tc>, window_params = [{transform_indices = @transform_0, window_bounds = array<i64: 2, 400, 128>}, {transform_indices = @transform_1, window_bounds = array<i64: 400, 128>}, {pipeline_mode = #tpu.pipeline_mode<synchronous>, transform_indices = @transform_2, window_bounds = array<i64: 1, 128>}, {transform_indices = @transform_3, window_bounds = array<i64: 2, 400, 128>}, {transform_indices = @transform_4, window_bounds = array<i64: 400, 128>}]} {
    %get3A = arith.constant 0 : index
    %get3A_0 = arith.constant 0 : index
    %get3A_1 = arith.constant 0 : index
    %get3A_2 = vector.load %arg4[%get3A, %get3A_0, %get3A_1] : memref<2x400x128xf32, #tpu.memory_space<vmem>>, vector<2x400x128xf32>
    %slice3A = vector.extract_strided_slice %get3A_2 {offsets = [0, 0, 0], sizes = [1, 400, 1], strides = [1, 1, 1]} : vector<2x400x128xf32> to vector<1x400x1xf32>
    %squeeze3A = vector.shape_cast %slice3A : vector<1x400x1xf32> to vector<400xf32>
    %add3A = arith.constant 1.000000e+00 : f32
    %add3A_3 = vector.broadcast %add3A : f32 to vector<400xf32>
    %add3A_4 = arith.addf %add3A_3, %squeeze3A : vector<400xf32>
    %slice3A_5 = vector.extract_strided_slice %get3A_2 {offsets = [1, 0, 0], sizes = [1, 400, 1], strides = [1, 1, 1]} : vector<2x400x128xf32> to vector<1x400x1xf32>
    %squeeze3A_6 = vector.shape_cast %slice3A_5 : vector<1x400x1xf32> to vector<400xf32>
    %add3A_7 = arith.addf %add3A_4, %squeeze3A_6 : vector<400xf32>
    %rsqrt3A = math.rsqrt %add3A_7 : vector<400xf32>
    %broadcast_in_dim3A = vector.shape_cast %rsqrt3A : vector<400xf32> to vector<400x1xf32>
    %get3A_8 = arith.constant 0 : index
    %get3A_9 = arith.constant 0 : index
    %get3A_10 = arith.constant 0 : index
    %get3A_11 = vector.load %arg1[%get3A_8, %get3A_9, %get3A_10] : memref<2x400x128xf32, #tpu.memory_space<vmem>>, vector<1x400x128xf32>
    %get3A_12 = vector.shape_cast %get3A_11 : vector<1x400x128xf32> to vector<400x128xf32>
    %get3A_13 = arith.constant 1 : index
    %get3A_14 = arith.constant 0 : index
    %get3A_15 = arith.constant 0 : index
    %get3A_16 = vector.load %arg1[%get3A_13, %get3A_14, %get3A_15] : memref<2x400x128xf32, #tpu.memory_space<vmem>>, vector<1x400x128xf32>
    %get3A_17 = vector.shape_cast %get3A_16 : vector<1x400x128xf32> to vector<400x128xf32>
    %add3A_18 = arith.addf %get3A_12, %get3A_17 : vector<400x128xf32>
    %get3A_19 = arith.constant 0 : index
    %get3A_20 = arith.constant 0 : index
    %get3A_21 = vector.load %arg2[%get3A_19, %get3A_20] : memref<400x128xf32, #tpu.memory_space<vmem>>, vector<400x128xf32>
    %add3A_22 = arith.addf %add3A_18, %get3A_21 : vector<400x128xf32>
    %mul3A = vector.broadcast %broadcast_in_dim3A : vector<400x1xf32> to vector<400x128xf32>
    %mul3A_23 = arith.mulf %mul3A, %add3A_22 : vector<400x128xf32>
    %get3A_24 = arith.constant 0 : index
    %get3A_25 = arith.constant 0 : index
    %get3A_26 = vector.load %arg3[%get3A_24, %get3A_25] : memref<1x128xf32, #tpu.memory_space<vmem>>, vector<1x128xf32>
    %add3A_27 = vector.broadcast %get3A_26 : vector<1x128xf32> to vector<400x128xf32>
    %add3A_28 = arith.addf %mul3A_23, %add3A_27 : vector<400x128xf32>
    %reduce_max3A = arith.constant dense<0xFF800000> : vector<400xf32>
    %reduce_max3A_29 = vector.multi_reduction <maximumf>, %add3A_28, %reduce_max3A [1] : vector<400x128xf32> to vector<400xf32>
    %broadcast_in_dim3A_30 = vector.shape_cast %reduce_max3A_29 : vector<400xf32> to vector<400x1xf32>
    %sub3A = vector.broadcast %broadcast_in_dim3A_30 : vector<400x1xf32> to vector<400x128xf32>
    %sub3A_31 = arith.subf %add3A_28, %sub3A : vector<400x128xf32>
    %exp3A = math.exp %sub3A_31 : vector<400x128xf32>
    %reduce_sum3A = arith.constant dense<0.000000e+00> : vector<400xf32>
    %reduce_sum3A_32 = vector.multi_reduction <add>, %exp3A, %reduce_sum3A [1] : vector<400x128xf32> to vector<400xf32>
    %broadcast_in_dim3A_33 = vector.shape_cast %reduce_sum3A_32 : vector<400xf32> to vector<400x1xf32>
    %log3A = math.log %broadcast_in_dim3A_33 : vector<400x1xf32>
    %sub3A_34 = vector.broadcast %broadcast_in_dim3A_30 : vector<400x1xf32> to vector<400x128xf32>
    %sub3A_35 = arith.subf %add3A_28, %sub3A_34 : vector<400x128xf32>
    %sub3A_36 = vector.broadcast %log3A : vector<400x1xf32> to vector<400x128xf32>
    %sub3A_37 = arith.subf %sub3A_35, %sub3A_36 : vector<400x128xf32>
    %swap3A = arith.constant 0 : index
    %swap3A_38 = arith.constant 0 : index
    %swap3A_39 = vector.load %arg5[%swap3A, %swap3A_38] : memref<400x128xf32, #tpu.memory_space<vmem>>, vector<400x128xf32>
    tpu.vector_store %arg5[%swap3A, %swap3A_38], %sub3A_37 {strides = array<i32>} : memref<400x128xf32, #tpu.memory_space<vmem>>, vector<400x128xf32>,
    return
  }
  func.func @transform_0(%arg0: i32) -> (i32, i32, i32) {
    %c0_i32 = arith.constant 0 : i32
    %c0_i32_0 = arith.constant 0 : i32
    %c0_i32_1 = arith.constant 0 : i32
    return %c0_i32, %arg0, %c0_i32_0 : i32, i32, i32
  }
  func.func @transform_1(%arg0: i32) -> (i32, i32) {
    %c0_i32 = arith.constant 0 : i32
    %c0_i32_0 = arith.constant 0 : i32
    return %arg0, %c0_i32 : i32, i32
  }
  func.func @transform_2(%arg0: i32) -> (i32, i32) {
    %c0_i32 = arith.constant 0 : i32
    %c0_i32_0 = arith.constant 0 : i32
    %c0_i32_1 = arith.constant 0 : i32
    return %c0_i32, %c0_i32_0 : i32, i32
  }
  func.func @transform_3(%arg0: i32) -> (i32, i32, i32) {
    %c0_i32 = arith.constant 0 : i32
    %c0_i32_0 = arith.constant 0 : i32
    %c0_i32_1 = arith.constant 0 : i32
    return %c0_i32, %arg0, %c0_i32_0 : i32, i32, i32
  }
  func.func @transform_4(%arg0: i32) -> (i32, i32) {
    %c0_i32 = arith.constant 0 : i32
    %c0_i32_0 = arith.constant 0 : i32
    return %arg0, %c0_i32 : i32, i32
  }
}

</mosaic_0001>

<sc_bundles>
// kernel: kernel.11.cloned.1.call-start
scs
__scs_entry_jumppad:
0x0: {  	(pc) =	sbr.rel $0x88, $3  }
0x1: {  	(tag) =	ssettag $0x0;
	lr =	simm.s32 $0x1  }
0x2: {  	[smem:$0x3F9B] =	sst lr;
	_ =	strace $0xD0000000  }
0x3: {  	_ = 	snop  }
0x4: {  	_ = 	snop  }
0x5: {  	_ = 	snop  }
0x6: {  	_ = 	snop  }
0x7: {  	_ = 	snop  }
__scs_overlays_trampoline_lowered:
0x8: {  	[smem:$0x3FAA] =	sst s0  }
0x9: {  	[smem:$0x3FAB] =	sst s1  }
0xa: {  	[smem:$0x3FAC] =	sst s2  }
0xb: {  	[smem:$0x3FAD] =	sst s3  }
0xc: {  	[smem:$0x3FAE] =	sst s4  }
0xd: {  	[smem:$0x3FAF] =	sst s5  }
0xe: {  	[smem:$0x3FB0] =	sst s6  }
0xf: {  	[smem:$0x3FB1] =	sst s7  }
0x10: {  	[smem:$0x3FB2] =	sst s8  }
0x11: {  	[smem:$0x3FB3] =	sst s9;
	s0 =	simm.s32 @!p0 $0x0  }
0x12: {  	s1 =	sld [smem:$0x3F99];
	s0 =	simm.s32 @p0 $0x1  }
0x13: {  	[smem:$0x3FB4] =	sst s0;
	s0 =	simm.s32 @!p1 $0x0  }
0x14: {  	s2 =	sld [smem:$0x3F98];
	s0 =	simm.s32 @p1 $0x1  }
0x15: {  	[smem:$0x3FB5] =	sst s0;
	s0 =	simm.s32 @!p2 $0x0  }
0x16: {  	s3 =	sld [smem:$0x3FDB];
	s0 =	simm.s32 @p2 $0x1  }
0x17: {  	s4 =	simm.s32 $0x1BF5;
	[smem:$0x3FB7] =	sst s0  }
0x18: {  	s0 =	sld [smem:$0x3F9A];
	_ =	swait.ge [sflag:s4], $0x0  }
0x19: {  	s7 =	sld [smem:$0x3F9B]  }
0x1a: {  	s8 =	sadd.s32 $0xFFFFE003, lr  }
0x1b: {  	s9 =	sadd.s32 $0xFFFFFEF7, lr;
	s5 =	simm.s32 $0xFFFFFFFF;
	p2 =	slt.u32 s8, $0xFFFFF086  }
0x1c: {  	p1 =	slt.u32 s9, $0xF7A;
	s5 =	simm.s32 @!p2 $0x0  }
0x1d: {  	s5 =	simm.s32 @p1 $0x1;
	p0 =	seq.s32 s7, s2  }
0x1e: {  	s7 =	smul.u32 @!p0 $0xF7A, s2;
	p2 =	seq.s32 @!p0 s5, $0x0  }
0x1f: {  	s9 =	smul.u32 $0xF7A, s1;
	s8 =	simm.s32 @!p0 $0x1BF5;
	p2 =	por !p2, p0  }
0x20: {  	[sflag:s8] =	ssyncset.s32 @!p0 $0xFFFFF086;
	s6 =	sadd.s32 @!p0 s3, s7;
	s7 =	simm.s32 @!p0 $0x108  }
0x21: {  	s3 =	sadd.s32 s3, s9;
	s6 =	sadd.s32 @!p0 $0x88, s6;
	s7 =	simm.s32 @p2 $0x1082  }
0x22: {  	[simem:s7], [sflag:s8] =	dma.local @!p0 [hbm:s6], $0xF7A  }
0x23: {  	s9 =	sor.u32 $0xD0000000, s2;
	s6 =	simm.s32 $0x108;
	_ =	swait.ge @!p0 [sflag:s8], $0x0  }
0x24: {  	s3 =	sadd.s32 $0x88, s3;
	s6 =	simm.s32 @!p1 $0x1082;
	[sflag:s4] =	ssyncset.s32 $0xFFFFF086  }
0x25: {  	[simem:s6], [sflag:s4] =	dma.local [hbm:s3], $0xF7A  }
0x26: {  	[smem:$0x3F9B] =	sst s1;
	(tag) =	ssettag s2;
	_ =	strace s9  }
0x27: {  	s1 =	sld [smem:$0x3FAB]  }
0x28: {  	s2 =	sld [smem:$0x3FAC]  }
0x29: {  	s4 =	sld [smem:$0x3FAE]  }
0x2a: {  	p0 =	seq.s32 s5, $0x0;
	s5 =	sld [smem:$0x3FAF]  }
0x2b: {  	s6 =	sld [smem:$0x3FB0]  }
0x2c: {  	s7 =	sld [smem:$0x3FB1]  }
0x2d: {  	s3 =	simm.s32 $0x108;
	s8 =	sld [smem:$0x3FB2]  }
0x2e: {  	s3 =	simm.s32 @!p0 $0x1082;
	s9 =	sld [smem:$0x3FB3]  }
0x2f: {  	lr =	sadd.s32 s0, s3;
	s0 =	sld [smem:$0x3FAA]  }
0x30: {  	s3 =	sld [smem:$0x3FAD]  }
0x31: {  	[smem:$0x3FB6] =	sst s10  }
0x32: {  	s10 =	sld [smem:$0x3FB4];
	_ =	sdelay $0x3  }
0x33: {  	p0 =	seq.s32 s10, $0x1;
	s10 =	sld [smem:$0x3FB6];
	_ =	sdelay $0x3  }
0x34: {  	[smem:$0x3FB6] =	sst s10  }
0x35: {  	s10 =	sld [smem:$0x3FB5];
	_ =	sdelay $0x3  }
0x36: {  	p1 =	seq.s32 s10, $0x1;
	s10 =	sld [smem:$0x3FB6];
	_ =	sdelay $0x3  }
0x37: {  	[smem:$0x3FB6] =	sst s10  }
0x38: {  	s10 =	sld [smem:$0x3FB7]  }
0x39: {  	_ = 	snop;
	(pc) =	sbr.ind lr, $3  }
0x3a: {  	_ = 	snop  }
0x3b: {  	_ = 	snop  }
0x3c: {  	p2 =	seq.s32 s10, $0x1;
	s10 =	sld [smem:$0x3FB6]  }
0x3d: {  	_ =	shalt  }
0x3e: {  	_ =	shalt  }
0x3f: {  	_ =	shalt  }
0x40: {  	_ =	shalt  }
0x41: {  	_ =	shalt  }
0x42: {  	_ =	shalt  }
0x43: {  	_ =	shalt  }
0x44: {  	_ =	shalt  }
0x45: {  	_ =	shalt  }
0x46: {  	_ =	shalt  }
0x47: {  	_ =	shalt  }
0x48: {  	_ =	shalt  }
0x49: {  	_ =	shalt  }
0x4a: {  	_ =	shalt  }
0x4b: {  	_ =	shalt  }
0x4c: {  	_ =	shalt  }
0x4d: {  	_ =	shalt  }
0x4e: {  	_ =	shalt  }
0x4f: {  	_ =	shalt  }
0x50: {  	_ =	shalt  }
0x51: {  	_ =	shalt  }
0x52: {  	_ =	shalt  }
0x53: {  	_ =	shalt  }
0x54: {  	_ =	shalt  }
0x55: {  	_ =	shalt  }
0x56: {  	_ =	shalt  }
0x57: {  	_ =	shalt  }
0x58: {  	_ =	shalt  }
0x59: {  	_ =	shalt  }
0x5a: {  	_ =	shalt  }
0x5b: {  	_ =	shalt  }
0x5c: {  	_ =	shalt  }
0x5d: {  	_ =	shalt  }
0x5e: {  	_ =	shalt  }
0x5f: {  	_ =	shalt  }
0x60: {  	_ =	shalt  }
0x61: {  	_ =	shalt  }
0x62: {  	_ =	shalt  }
0x63: {  	_ =	shalt  }
0x64: {  	_ =	shalt  }
0x65: {  	_ =	shalt  }
0x66: {  	_ =	shalt  }
0x67: {  	_ =	shalt  }
0x68: {  	_ =	shalt  }
0x69: {  	_ =	shalt  }
0x6a: {  	_ =	shalt  }
0x6b: {  	_ =	shalt  }
0x6c: {  	_ =	shalt  }
0x6d: {  	_ =	shalt  }
0x6e: {  	_ =	shalt  }
0x6f: {  	_ =	shalt  }
0x70: {  	_ =	shalt  }
0x71: {  	_ =	shalt  }
0x72: {  	_ =	shalt  }
0x73: {  	_ =	shalt  }
0x74: {  	_ =	shalt  }
0x75: {  	_ =	shalt  }
0x76: {  	_ =	shalt  }
0x77: {  	_ =	shalt  }
0x78: {  	_ =	shalt  }
0x79: {  	_ =	shalt  }
0x7a: {  	_ =	shalt  }
0x7b: {  	_ =	shalt  }
0x7c: {  	_ =	shalt  }
0x7d: {  	_ =	shalt  }
0x7e: {  	_ =	shalt  }
0x7f: {  	_ =	shalt  }
0x80: {  	_ =	shalt  }
0x81: {  	_ =	shalt  }
0x82: {  	_ =	shalt  }
0x83: {  	_ =	shalt  }
0x84: {  	_ =	shalt  }
0x85: {  	_ =	shalt  }
0x86: {  	_ =	shalt  }
0x87: {  	_ =	shalt  }
.Lfunc_end0:
.L_simem_size_0:
called_computation.1_lowered:
.L_overlay_start_0:
0x88: {  	s2 =	sld [smem:$0x3FD9]  }
0x89: {  	s3 =	sld [smem:$0x3FFE];
	_ =	sdelay $0x1  }
0x8a: {  	s1 =	srdreg.scid  }
0x8b: {  	s0 =	sand.u32 $0x1, s1  }
0x8c: {  	s17 =	sshll.u32 s0, $0xA;
	s2 =	sadd.s32 s3, s2  }
0x8d: {  	s2 =	sadd.s32 s2, s17  }
0x8e: {  	[smem:$0x3FC2] =	sst s2  }
0x8f: {  	_ = 	snop  }
0x90: {  	s2 =	sld [smem:$0x3FD0];
	(tm) =	ssettm $0x1  }
0x91: {  	s18 =	sld [smem:$0x3FFB];
	_ =	sdelay $0x3  }
0x92: {  	_ =	strace s18  }
0x93: {  	s3 =	sld [smem:$0x3FFC];
	_ =	sdelay $0x3  }
0x94: {  	_ =	strace s3  }
0x95: {  	s3 =	sld [smem:$0x3FFD];
	_ =	sdelay $0x3  }
0x96: {  	_ =	strace s3  }
0x97: {  	_ =	strace $0x8FFFFFFF  }
0x98: {  	s19 =	sld [smem:$0x3FDB];
	_ =	sdelay $0x1  }
0x99: {  	s4 =	simm.s32 $_scs_section_size  }
0x9a: {  	s5 =	simm.s32 $_size__tile_overlayer_lowered;
	s6 =	simm.s32 $_tile_overlayer_lowered  }
0x9b: {  	s22 =	simm.s32 $0x1BFF;
	s21 =	sshll.u32 s6, $0x1;
	s3 =	sadd.s32 s4, s19  }
0x9c: {  	s7 =	simm.s32 $0x0;
	s20 =	sshll.u32 s5, $0x1;
	s5 =	sadd.s32 s21, s3  }
0x9d: {  	[timem:s7], [sflag:s22] =	dma.local [hbm:s5], s20  }
0x9e: {  	_ =	swait.ge [sflag:s22], s20  }
0x9f: {  	s4 =	ssub.s32 $0x0, s20;
	[sflag:s22] =	ssyncset.done $0x0  }
0xa0: {  	[sflag:s22] =	ssyncadd.s32 s4;
	_ =	sdelay $0x1  }
0xa1: {  	s23 =	simm.s32 $0x1B8B  }
0xa2: {  	_ =	swait.ge [sflag:s23], $0x1  }
0xa3: {  	[sflag:s23] =	ssyncset.done $0x0  }
0xa4: {  	s25 =	simm.s32 $0x1B8E;
	s24 =	sld [smem:$0x3FFE];
	[sflag:s23] =	ssyncadd.s32 $0xFFFFFFFF  }
0xa5: {  	s26 =	simm.s32 $execute0_lowered;
	[smem:$0x3FD2] =	sst s25  }
0xa6: {  	s5 =	sshll.u32 s26, $0x1;
	_ =	strace $0x80000049;
	[dreg:$0x1] =	wrdreg $0xFFFFFFFF  }
0xa7: {  	s28 =	simm.s32 $_size_execute0_lowered;
	s3 =	sadd.s32 s3, s5;
	[dreg:$0x0] =	wrdreg $0x0  }
0xa8: {  	s5 =	sshll.u32 s28, $0x1;
	[dreg:$0x2] =	wrdreg s3  }
0xa9: {  	[dreg:$0x3] =	wrdreg s5  }
0xaa: {  	[dreg:$0x4] =	wrdreg $0xC0  }
0xab: {  	_ =	task [dreg:s7], $0x5FFFF  }
0xac: {  	[dreg:$0x1] =	wrdreg $0xFFFFFFFF  }
0xad: {  	[dreg:$0x0] =	wrdreg $0x60  }
0xae: {  	[dreg:$0x2] =	wrdreg s2  }
0xaf: {  	[dreg:$0x3] =	wrdreg s24  }
0xb0: {  	[dreg:$0x4] =	wrdreg $0x90000  }
0xb1: {  	[dreg:$0x5] =	wrdreg $0x9  }
0xb2: {  	_ =	task.clear_ibuf [dreg:s7], $0x6FFFF;
	_ =	strace $0x90000049  }
0xb3: {  	s29 =	simm.s32 $0x9;
	_ =	strace $0x8000004B  }
0xb4: {  	_ =	swait.ge [sflag:s29], $0x1  }
0xb5: {  	[sflag:s29] =	ssyncadd.s32 $0xFFFFFFFF  }
0xb6: {  	_ =	strace $0x9000004B  }
0xb7: {  	_ =	sfence  }
0xb8: {  	s30 =	sld [smem:$0x0];
	_ =	sdelay $0x2  }
0xb9: {  	s31 =	sshll.u32 s1, $0xD;
	s1 =	sshrl.u32 s1, $0x2  }
0xba: {  	s3 =	sand.u32 $0x4000, s31;
	s1 =	sadd.s32 s1, s30  }
0xbb: {  	s0 =	sor.u32 s3, s0;
	s1 =	sshll.u32 s1, $0x11  }
0xbc: {  	s0 =	sor.u32 s1, s0  }
0xbd: {  	s0 =	sadd.s32 $0x8F2B, s0  }
0xbe: {  	[sflag:s0] =	ssyncadd.remote.s32 $0x1  }
0xbf: {  	_ =	sfence.sel $0xFFFF  }
0xc0: {  	[dreg:$0x0] =	wrdreg $0xFFFFFFFF;
	(pc) =	sbr.abs _section_cstart, $3  }
0xc1: {  	[dreg:$0x1] =	wrdreg $0xFFFFFFFF  }
0xc2: {  	_ =	task.clear_ibuf [dreg:s7], $0x2FFFF;
	_ =	strace $0x9FFFFFFF  }
0xc3: {  	(tm) =	ssettm $0x7FFFFFFF  }
tec
execute0_lowered:
.L_overlay_start_1:
0x0: {  	(tag) =	ssettag $0x1  }
0x1: {  	s1 =	rddreg [dreg:$0x0]  }
0x2: {  	s6 =	rddreg [dreg:$0x1]  }
0x3: {  	s3 =	rddreg [dreg:$0x2]  }
0x4: {  	s2 =	srdreg.scid;
	s0 =	rddreg [dreg:$0x3]  }
0x5: {  	s4 =	simm.s32 $0x0;
	s18 =	simm.s32 $0x80;
	s19 =	simm.s32 $0x5000  }
0x6: {  	s20 =	simm.s32 $0x1;
	s7 =	sand.u32 $0x1, s2;
	s2 =	stileid.u32  }
0x7: {  	s21 =	simm.s32 $0x0;
	[smem:$0x7FF] =	sst s4;
	s8 =	smul.u32 $0x13C000, s7  }
0x8: {  	s5 =	sshll.u32 s7, $0x4;
	s9 =	smul.u32 $0x13C00, s2;
	_ =	strace $0x8000004A  }
0x9: {  	s26 =	smul.u32 $0x4F000, s2;
	s28 =	ssub.s32 $0x2, s7;
	s5 =	sor.u32 s2, s5  }
0xa: {  	s31 =	sshll.u32 s2, $0x6;
	s30 =	sshrl.u32 s28, $0x1;
	s5 =	smul.u32 $0x500, s5  }
0xb: {  	s8 =	sadd.s32 s9, s8;
	s29 =	sshrl.u32 s26, $0x2;
	s13 =	ssub.s32 s28, s30  }
0xc: {  	s8 =	sshrl.u32 s8, $0x3;
	s12 =	sadd.s32 s29, s3;
	s10 =	sadd.s32 s5, s6  }
0xd: {  	s5 =	sadd.s32 $0xC800, s6;
	s11 =	sadd.s32 s8, s6;
	s6 =	sor.u32 $0x1C02, s31  }
0xe: {  	s14 =	sadd.s32 $0x4000, s12;
	s15 =	sadd.s32 $0x8000, s12;
	s16 =	sadd.s32 $0xC000, s12  }
0xf: {  	s17 =	sadd.s32 $0x10000, s12;
	s7 =	sadd.s32 $0x5C000, s10;
	s8 =	sadd.s32 $0x2800, s10  }
0x10: {  	s9 =	sadd.s32 $0x66000, s11;
	s10 =	smax.u32 s13, $0x1;
	s11 =	sshrl.u32 s12, $0x3  }
0x11: {  	s12 =	simm.s32 $0x2;
	s13 =	sshrl.u32 s14, $0x3;
	s14 =	sshrl.u32 s15, $0x3  }
0x12: {  	s15 =	sshrl.u32 s16, $0x3;
	s16 =	sshrl.u32 s17, $0x3;
	s17 =	simm.s32 $0x2800  }
.LBB2_1:
0x13: {  	[spmem:s11], [sflag:s6] =	dma.local [hbm:s5], $0x800  }
0x14: {  	_ =	swait.ge [sflag:s12], $0x800  }
0x15: {  	[sflag:s12] =	ssyncset.done $0x0  }
0x16: {  	[sflag:s12] =	ssyncadd.s32 $0xFFFFF800  }
0x17: {  	[spmem:s13], [sflag:s6] =	dma.local [hbm:s5], $0x800  }
0x18: {  	_ =	swait.ge [sflag:s12], $0x800  }
0x19: {  	[sflag:s12] =	ssyncset.done $0x0  }
0x1a: {  	[sflag:s12] =	ssyncadd.s32 $0xFFFFF800  }
0x1b: {  	[spmem:s14], [sflag:s6] =	dma.local [hbm:s5], $0x800  }
0x1c: {  	_ =	swait.ge [sflag:s12], $0x800  }
0x1d: {  	[sflag:s12] =	ssyncset.done $0x0  }
0x1e: {  	[sflag:s12] =	ssyncadd.s32 $0xFFFFF800  }
0x1f: {  	[spmem:s15], [sflag:s6] =	dma.local [hbm:s5], $0x800  }
0x20: {  	_ =	swait.ge [sflag:s12], $0x800  }
0x21: {  	[sflag:s12] =	ssyncset.done $0x0  }
0x22: {  	[sflag:s12] =	ssyncadd.s32 $0xFFFFF800  }
0x23: {  	[spmem:s16], [sflag:s6] =	dma.local [hbm:s5], $0x780  }
0x24: {  	_ =	swait.ge [sflag:s12], $0x780  }
0x25: {  	[sflag:s12] =	ssyncset.done $0x0  }
0x26: {  	[sflag:s12] =	ssyncadd.s32 $0xFFFFF880  }
0x27: {  	[tilespmem:s4], [sflag:$0x2] =	stream.linear.gather [hbm4b:s7+s4], $0x2800, $0x38;
	[tilespmem:$0x1CC00] =	vst v63  }
0x28: {  	_ =	swait.ge [sflag:s12], $0x2800  }
0x29: {  	[sflag:s12] =	ssyncset.done $0x0  }
0x2a: {  	[sflag:s12] =	ssyncadd.s32 $0xFFFFD800  }
0x2b: {  	[tilespmem:s17], [sflag:$0x2] =	stream.linear.gather [hbm4b:s8+s4], $0x2800, $0x38;
	[tilespmem:$0x1CC00] =	vst v63  }
0x2c: {  	_ =	swait.ge [sflag:s12], $0x2800  }
0x2d: {  	[sflag:s12] =	ssyncset.done $0x0  }
0x2e: {  	[sflag:s12] =	ssyncadd.s32 $0xFFFFD800  }
0x2f: {  	s22 =	simm.s32 $0x0;
	[bflag:$0x0] =	sbarrier.arrive $0xFFFF  }
0x30: {  	[tilespmem:s19], [sflag:$0x1] =	stream.indirect.gather [hbm4b:s1+s18], $0x80, s22, s18, $0xb8;
	[tilespmem:$0x1CC00] =	vst v63  }
0x31: {  	_ =	swait.ge [sflag:s20], $0x4000  }
0x32: {  	[sflag:s20] =	ssyncset.done $0x0  }
0x33: {  	s31 =	simm.s32 $0x2800;
	[sflag:s20] =	ssyncadd.s32 $0xFFFFC000  }
0x34: {  	[spmem:s3] =	stream.indirect.scatter.add.f32 [tilespmem:s19], [sflag:$0x2], $0x80, s31, s18, $0xb8;
	[tilespmem:$0x1CC00] =	vst v63  }
0x35: {  	_ =	swait.ge [sflag:s12], $0x4000  }
0x36: {  	s23 =	simm.s32 $0x400;
	s22 =	simm.s32 $0x200;
	[sflag:s12] =	ssyncset.done $0x0  }
.LBB2_2:
0x37: {  	s24 =	sshra.s32 s22, $0x2  }
0x38: {  	[sflag:s12] =	ssyncadd.s32 $0xFFFFC000;
	s22 =	smov.u32 s23;
	s25 =	sadd.s32 $0x200, s23  }
0x39: {  	[tilespmem:s19], [sflag:$0x1] =	stream.indirect.gather [hbm4b:s1+s18], $0x80, s24, s18, $0xb8;
	[tilespmem:$0x1CC00] =	vst v63  }
0x3a: {  	p0 =	sne.s32 s23, $0x9E00;
	_ =	swait.ge [sflag:s20], $0x4000  }
.Ltmp0:
0x3b: {  	[sflag:s20] =	ssyncset.done $0x0;
	(pc) =	sbr.rel @p0 .LBB2_2-.Ltmp0, $4  }
0x3c: {  	s23 =	sadd.s32 $0x2800, s24;
	[sflag:s20] =	ssyncadd.s32 $0xFFFFC000  }
0x3d: {  	[spmem:s3] =	stream.indirect.scatter.add.f32 [tilespmem:s19], [sflag:$0x2], $0x80, s23, s18, $0xb8;
	[tilespmem:$0x1CC00] =	vst v63  }
0x3e: {  	_ =	swait.ge [sflag:s12], $0x4000  }
0x3f: {  	s23 =	smov.u32 s25;
	[sflag:s12] =	ssyncset.done $0x0  }
0x40: {  	s22 =	sshra.s32 s22, $0x2;
	[sflag:s12] =	ssyncadd.s32 $0xFFFFC000  }
0x41: {  	[tilespmem:s19], [sflag:$0x1] =	stream.indirect.gather [hbm4b:s1+s18], $0x80, s22, s18, $0xb8;
	[tilespmem:$0x1CC00] =	vst v63  }
0x42: {  	_ =	swait.ge [sflag:s20], $0x4000  }
0x43: {  	[sflag:s20] =	ssyncset.done $0x0  }
0x44: {  	s22 =	sadd.s32 $0x2800, s22;
	[sflag:s20] =	ssyncadd.s32 $0xFFFFC000  }
0x45: {  	[spmem:s3] =	stream.indirect.scatter.add.f32 [tilespmem:s19], [sflag:$0x2], $0x80, s22, s18, $0xb8;
	[tilespmem:$0x1CC00] =	vst v63  }
0x46: {  	_ =	swait.ge [sflag:s12], $0x4000  }
0x47: {  	s21 =	sadd.s32 $0x1, s21;
	[sflag:s12] =	ssyncset.done $0x0  }
0x48: {  	p0 =	sne.s32 s21, s10;
	[sflag:s12] =	ssyncadd.s32 $0xFFFFC000  }
.Ltmp1:
0x49: {  	[bflag:$0x0] =	sbarrier.arrive $0xFFFF;
	(pc) =	sbr.rel @p0 .LBB2_1-.Ltmp1, $4  }
0x4a: {  	[hbm:s9], [sflag:s6] =	dma.local [spmem:s11], $0x2780  }
0x4b: {  	_ =	swait.ge [sflag:s12], $0x2780  }
0x4c: {  	[sflag:s12] =	ssyncset.done $0x0  }
0x4d: {  	[sflag:s12] =	ssyncadd.s32 $0xFFFFD880  }
0x4e: {  	_ =	sfence.sel $0x180000  }
0x4f: {  	[bflag:$0x0] =	sbarrier.arrive $0xFFFF  }
0x50: {  	p0 =	sne.s32 s2, $0x0;
	_ =	strace $0x9000004A  }
0x51: {  	s0 =	sadd.s32 @!p0 $0x100000, s0;
	[bflag:$0x2] =	sbarrier.arrive $0xFFFF  }
0x52: {  	[sflag:s0] =	ssyncadd.tile.s32 @!p0 $0x1;
	_ =	shalt  }
.Lfunc_end2:
_tile_overlayer_lowered:
.L_overlay_start_2:
0x53: {  	(tag) =	ssettag $0x2  }
0x54: {  	s0 =	rddreg [dreg:$0x0];
	s2 =	stileid.u32  }
0x55: {  	s1 =	rddreg [dreg:$0x1];
	p0 =	sne.s32 s2, $0x0  }
0x56: {  	s3 =	rddreg [dreg:$0x2];
	[bflag:$0x3] =	sbarrier.arrive $0xFFFF;
	s2 =	simm.s32 @!p0 $0x1C02  }
0x57: {  	[timem:s3], [sflag:s2] =	dma.local @!p0 [hbm:s0], s1  }
0x58: {  	s0 =	simm.s32 @!p0 $0x2  }
0x59: {  	_ =	swait.ge @!p0 [sflag:s0], s1  }
0x5a: {  	s1 =	ssub.s32 @!p0 $0x0, s1;
	[sflag:s0] =	ssyncset.done @!p0 $0x0  }
0x5b: {  	[sflag:s0] =	ssyncadd.s32 @!p0 s1  }
0x5c: {  	[bflag:$0x3] =	sbarrier.arrive $0xFFFF  }
0x5d: {  	_ =	shalt  }

// kernel: kernel.14.cloned.1.call-start
scs
__scs_entry_jumppad:
0x0: {  	(pc) =	sbr.rel $0x88, $3  }
0x1: {  	(tag) =	ssettag $0x0;
	lr =	simm.s32 $0x1  }
0x2: {  	[smem:$0x3F9B] =	sst lr;
	_ =	strace $0xD0000000  }
0x3: {  	_ = 	snop  }
0x4: {  	_ = 	snop  }
0x5: {  	_ = 	snop  }
0x6: {  	_ = 	snop  }
0x7: {  	_ = 	snop  }
__scs_overlays_trampoline_lowered:
0x8: {  	[smem:$0x3FAA] =	sst s0  }
0x9: {  	[smem:$0x3FAB] =	sst s1  }
0xa: {  	[smem:$0x3FAC] =	sst s2  }
0xb: {  	[smem:$0x3FAD] =	sst s3  }
0xc: {  	[smem:$0x3FAE] =	sst s4  }
0xd: {  	[smem:$0x3FAF] =	sst s5  }
0xe: {  	[smem:$0x3FB0] =	sst s6  }
0xf: {  	[smem:$0x3FB1] =	sst s7  }
0x10: {  	[smem:$0x3FB2] =	sst s8  }
0x11: {  	[smem:$0x3FB3] =	sst s9;
	s0 =	simm.s32 @!p0 $0x0  }
0x12: {  	s1 =	sld [smem:$0x3F99];
	s0 =	simm.s32 @p0 $0x1  }
0x13: {  	[smem:$0x3FB4] =	sst s0;
	s0 =	simm.s32 @!p1 $0x0  }
0x14: {  	s2 =	sld [smem:$0x3F98];
	s0 =	simm.s32 @p1 $0x1  }
0x15: {  	[smem:$0x3FB5] =	sst s0;
	s0 =	simm.s32 @!p2 $0x0  }
0x16: {  	s3 =	sld [smem:$0x3FDB];
	s0 =	simm.s32 @p2 $0x1  }
0x17: {  	s4 =	simm.s32 $0x1BF5;
	[smem:$0x3FB7] =	sst s0  }
0x18: {  	s0 =	sld [smem:$0x3F9A];
	_ =	swait.ge [sflag:s4], $0x0  }
0x19: {  	s7 =	sld [smem:$0x3F9B]  }
0x1a: {  	s8 =	sadd.s32 $0xFFFFE003, lr  }
0x1b: {  	s9 =	sadd.s32 $0xFFFFFEF7, lr;
	s5 =	simm.s32 $0xFFFFFFFF;
	p2 =	slt.u32 s8, $0xFFFFF086  }
0x1c: {  	p1 =	slt.u32 s9, $0xF7A;
	s5 =	simm.s32 @!p2 $0x0  }
0x1d: {  	s5 =	simm.s32 @p1 $0x1;
	p0 =	seq.s32 s7, s2  }
0x1e: {  	s7 =	smul.u32 @!p0 $0xF7A, s2;
	p2 =	seq.s32 @!p0 s5, $0x0  }
0x1f: {  	s9 =	smul.u32 $0xF7A, s1;
	s8 =	simm.s32 @!p0 $0x1BF5;
	p2 =	por !p2, p0  }
0x20: {  	[sflag:s8] =	ssyncset.s32 @!p0 $0xFFFFF086;
	s6 =	sadd.s32 @!p0 s3, s7;
	s7 =	simm.s32 @!p0 $0x108  }
0x21: {  	s3 =	sadd.s32 s3, s9;
	s6 =	sadd.s32 @!p0 $0x88, s6;
	s7 =	simm.s32 @p2 $0x1082  }
0x22: {  	[simem:s7], [sflag:s8] =	dma.local @!p0 [hbm:s6], $0xF7A  }
0x23: {  	s9 =	sor.u32 $0xD0000000, s2;
	s6 =	simm.s32 $0x108;
	_ =	swait.ge @!p0 [sflag:s8], $0x0  }
0x24: {  	s3 =	sadd.s32 $0x88, s3;
	s6 =	simm.s32 @!p1 $0x1082;
	[sflag:s4] =	ssyncset.s32 $0xFFFFF086  }
0x25: {  	[simem:s6], [sflag:s4] =	dma.local [hbm:s3], $0xF7A  }
0x26: {  	[smem:$0x3F9B] =	sst s1;
	(tag) =	ssettag s2;
	_ =	strace s9  }
0x27: {  	s1 =	sld [smem:$0x3FAB]  }
0x28: {  	s2 =	sld [smem:$0x3FAC]  }
0x29: {  	s4 =	sld [smem:$0x3FAE]  }
0x2a: {  	p0 =	seq.s32 s5, $0x0;
	s5 =	sld [smem:$0x3FAF]  }
0x2b: {  	s6 =	sld [smem:$0x3FB0]  }
0x2c: {  	s7 =	sld [smem:$0x3FB1]  }
0x2d: {  	s3 =	simm.s32 $0x108;
	s8 =	sld [smem:$0x3FB2]  }
0x2e: {  	s3 =	simm.s32 @!p0 $0x1082;
	s9 =	sld [smem:$0x3FB3]  }
0x2f: {  	lr =	sadd.s32 s0, s3;
	s0 =	sld [smem:$0x3FAA]  }
0x30: {  	s3 =	sld [smem:$0x3FAD]  }
0x31: {  	[smem:$0x3FB6] =	sst s10  }
0x32: {  	s10 =	sld [smem:$0x3FB4];
	_ =	sdelay $0x3  }
0x33: {  	p0 =	seq.s32 s10, $0x1;
	s10 =	sld [smem:$0x3FB6];
	_ =	sdelay $0x3  }
0x34: {  	[smem:$0x3FB6] =	sst s10  }
0x35: {  	s10 =	sld [smem:$0x3FB5];
	_ =	sdelay $0x3  }
0x36: {  	p1 =	seq.s32 s10, $0x1;
	s10 =	sld [smem:$0x3FB6];
	_ =	sdelay $0x3  }
0x37: {  	[smem:$0x3FB6] =	sst s10  }
0x38: {  	s10 =	sld [smem:$0x3FB7]  }
0x39: {  	_ = 	snop;
	(pc) =	sbr.ind lr, $3  }
0x3a: {  	_ = 	snop  }
0x3b: {  	_ = 	snop  }
0x3c: {  	p2 =	seq.s32 s10, $0x1;
	s10 =	sld [smem:$0x3FB6]  }
0x3d: {  	_ =	shalt  }
0x3e: {  	_ =	shalt  }
0x3f: {  	_ =	shalt  }
0x40: {  	_ =	shalt  }
0x41: {  	_ =	shalt  }
0x42: {  	_ =	shalt  }
0x43: {  	_ =	shalt  }
0x44: {  	_ =	shalt  }
0x45: {  	_ =	shalt  }
0x46: {  	_ =	shalt  }
0x47: {  	_ =	shalt  }
0x48: {  	_ =	shalt  }
0x49: {  	_ =	shalt  }
0x4a: {  	_ =	shalt  }
0x4b: {  	_ =	shalt  }
0x4c: {  	_ =	shalt  }
0x4d: {  	_ =	shalt  }
0x4e: {  	_ =	shalt  }
0x4f: {  	_ =	shalt  }
0x50: {  	_ =	shalt  }
0x51: {  	_ =	shalt  }
0x52: {  	_ =	shalt  }
0x53: {  	_ =	shalt  }
0x54: {  	_ =	shalt  }
0x55: {  	_ =	shalt  }
0x56: {  	_ =	shalt  }
0x57: {  	_ =	shalt  }
0x58: {  	_ =	shalt  }
0x59: {  	_ =	shalt  }
0x5a: {  	_ =	shalt  }
0x5b: {  	_ =	shalt  }
0x5c: {  	_ =	shalt  }
0x5d: {  	_ =	shalt  }
0x5e: {  	_ =	shalt  }
0x5f: {  	_ =	shalt  }
0x60: {  	_ =	shalt  }
0x61: {  	_ =	shalt  }
0x62: {  	_ =	shalt  }
0x63: {  	_ =	shalt  }
0x64: {  	_ =	shalt  }
0x65: {  	_ =	shalt  }
0x66: {  	_ =	shalt  }
0x67: {  	_ =	shalt  }
0x68: {  	_ =	shalt  }
0x69: {  	_ =	shalt  }
0x6a: {  	_ =	shalt  }
0x6b: {  	_ =	shalt  }
0x6c: {  	_ =	shalt  }
0x6d: {  	_ =	shalt  }
0x6e: {  	_ =	shalt  }
0x6f: {  	_ =	shalt  }
0x70: {  	_ =	shalt  }
0x71: {  	_ =	shalt  }
0x72: {  	_ =	shalt  }
0x73: {  	_ =	shalt  }
0x74: {  	_ =	shalt  }
0x75: {  	_ =	shalt  }
0x76: {  	_ =	shalt  }
0x77: {  	_ =	shalt  }
0x78: {  	_ =	shalt  }
0x79: {  	_ =	shalt  }
0x7a: {  	_ =	shalt  }
0x7b: {  	_ =	shalt  }
0x7c: {  	_ =	shalt  }
0x7d: {  	_ =	shalt  }
0x7e: {  	_ =	shalt  }
0x7f: {  	_ =	shalt  }
0x80: {  	_ =	shalt  }
0x81: {  	_ =	shalt  }
0x82: {  	_ =	shalt  }
0x83: {  	_ =	shalt  }
0x84: {  	_ =	shalt  }
0x85: {  	_ =	shalt  }
0x86: {  	_ =	shalt  }
0x87: {  	_ =	shalt  }
.Lfunc_end0:
.L_simem_size_0:
called_computation.2_lowered:
.L_overlay_start_0:
0x88: {  	s2 =	sld [smem:$0x3FD9]  }
0x89: {  	s3 =	sld [smem:$0x3FFE];
	_ =	sdelay $0x1  }
0x8a: {  	s1 =	srdreg.scid  }
0x8b: {  	s0 =	sand.u32 $0x1, s1  }
0x8c: {  	s17 =	sshll.u32 s0, $0xA;
	s2 =	sadd.s32 s3, s2  }
0x8d: {  	s2 =	sadd.s32 s2, s17  }
0x8e: {  	[smem:$0x3FC2] =	sst s2  }
0x8f: {  	_ = 	snop  }
0x90: {  	s2 =	sld [smem:$0x3FD0];
	(tm) =	ssettm $0x1  }
0x91: {  	s18 =	sld [smem:$0x3FFB];
	_ =	sdelay $0x3  }
0x92: {  	_ =	strace s18  }
0x93: {  	s3 =	sld [smem:$0x3FFC];
	_ =	sdelay $0x3  }
0x94: {  	_ =	strace s3  }
0x95: {  	s3 =	sld [smem:$0x3FFD];
	_ =	sdelay $0x3  }
0x96: {  	_ =	strace s3  }
0x97: {  	_ =	strace $0x8FFFFFFF  }
0x98: {  	s19 =	sld [smem:$0x3FDB];
	_ =	sdelay $0x1  }
0x99: {  	s4 =	simm.s32 $_scs_section_size  }
0x9a: {  	s5 =	simm.s32 $_size__tile_overlayer_lowered;
	s6 =	simm.s32 $_tile_overlayer_lowered  }
0x9b: {  	s22 =	simm.s32 $0x1BFF;
	s21 =	sshll.u32 s6, $0x1;
	s3 =	sadd.s32 s4, s19  }
0x9c: {  	s7 =	simm.s32 $0x0;
	s20 =	sshll.u32 s5, $0x1;
	s5 =	sadd.s32 s21, s3  }
0x9d: {  	[timem:s7], [sflag:s22] =	dma.local [hbm:s5], s20  }
0x9e: {  	_ =	swait.ge [sflag:s22], s20  }
0x9f: {  	s4 =	ssub.s32 $0x0, s20;
	[sflag:s22] =	ssyncset.done $0x0  }
0xa0: {  	[sflag:s22] =	ssyncadd.s32 s4;
	_ =	sdelay $0x1  }
0xa1: {  	s23 =	simm.s32 $0x1B8B  }
0xa2: {  	_ =	swait.ge [sflag:s23], $0x1  }
0xa3: {  	[sflag:s23] =	ssyncset.done $0x0  }
0xa4: {  	s25 =	simm.s32 $0x1B8E;
	s24 =	sld [smem:$0x3FFE];
	[sflag:s23] =	ssyncadd.s32 $0xFFFFFFFF  }
0xa5: {  	s26 =	simm.s32 $execute0_lowered;
	[smem:$0x3FD2] =	sst s25  }
0xa6: {  	s5 =	sshll.u32 s26, $0x1;
	_ =	strace $0x8000004C;
	[dreg:$0x1] =	wrdreg $0xFFFFFFFF  }
0xa7: {  	s28 =	simm.s32 $_size_execute0_lowered;
	s3 =	sadd.s32 s3, s5;
	[dreg:$0x0] =	wrdreg $0x0  }
0xa8: {  	s5 =	sshll.u32 s28, $0x1;
	[dreg:$0x2] =	wrdreg s3  }
0xa9: {  	[dreg:$0x3] =	wrdreg s5  }
0xaa: {  	[dreg:$0x4] =	wrdreg $0xC0  }
0xab: {  	_ =	task [dreg:s7], $0x5FFFF  }
0xac: {  	[dreg:$0x1] =	wrdreg $0xFFFFFFFF  }
0xad: {  	[dreg:$0x0] =	wrdreg $0x60  }
0xae: {  	[dreg:$0x2] =	wrdreg s2  }
0xaf: {  	[dreg:$0x3] =	wrdreg s24  }
0xb0: {  	[dreg:$0x4] =	wrdreg $0x90000  }
0xb1: {  	[dreg:$0x5] =	wrdreg $0x9  }
0xb2: {  	_ =	task.clear_ibuf [dreg:s7], $0x6FFFF;
	_ =	strace $0x9000004C  }
0xb3: {  	s29 =	simm.s32 $0x9;
	_ =	strace $0x8000004E  }
0xb4: {  	_ =	swait.ge [sflag:s29], $0x1  }
0xb5: {  	[sflag:s29] =	ssyncadd.s32 $0xFFFFFFFF  }
0xb6: {  	_ =	strace $0x9000004E  }
0xb7: {  	_ =	sfence  }
0xb8: {  	s30 =	sld [smem:$0x0];
	_ =	sdelay $0x2  }
0xb9: {  	s31 =	sshll.u32 s1, $0xD;
	s1 =	sshrl.u32 s1, $0x2  }
0xba: {  	s3 =	sand.u32 $0x4000, s31;
	s1 =	sadd.s32 s1, s30  }
0xbb: {  	s0 =	sor.u32 s3, s0;
	s1 =	sshll.u32 s1, $0x11  }
0xbc: {  	s0 =	sor.u32 s1, s0  }
0xbd: {  	s0 =	sadd.s32 $0x8F2B, s0  }
0xbe: {  	[sflag:s0] =	ssyncadd.remote.s32 $0x1  }
0xbf: {  	_ =	sfence.sel $0xFFFF  }
0xc0: {  	[dreg:$0x0] =	wrdreg $0xFFFFFFFF;
	(pc) =	sbr.abs _section_cstart, $3  }
0xc1: {  	[dreg:$0x1] =	wrdreg $0xFFFFFFFF  }
0xc2: {  	_ =	task.clear_ibuf [dreg:s7], $0x2FFFF;
	_ =	strace $0x9FFFFFFF  }
0xc3: {  	(tm) =	ssettm $0x7FFFFFFF  }
tec
execute0_lowered:
.L_overlay_start_1:
0x0: {  	(tag) =	ssettag $0x1  }
0x1: {  	s1 =	rddreg [dreg:$0x0]  }
0x2: {  	s6 =	rddreg [dreg:$0x1]  }
0x3: {  	s3 =	rddreg [dreg:$0x2]  }
0x4: {  	s2 =	srdreg.scid;
	s0 =	rddreg [dreg:$0x3]  }
0x5: {  	s4 =	simm.s32 $0x0;
	s18 =	simm.s32 $0x80;
	s19 =	simm.s32 $0x5000  }
0x6: {  	s20 =	simm.s32 $0x1;
	s7 =	sand.u32 $0x1, s2;
	s2 =	stileid.u32  }
0x7: {  	s21 =	simm.s32 $0x0;
	[smem:$0x7FF] =	sst s4;
	s8 =	smul.u32 $0x13C000, s7  }
0x8: {  	s5 =	sshll.u32 s7, $0x4;
	s9 =	smul.u32 $0x13C00, s2;
	_ =	strace $0x8000004D  }
0x9: {  	s26 =	smul.u32 $0x4F000, s2;
	s28 =	ssub.s32 $0x2, s7;
	s5 =	sor.u32 s2, s5  }
0xa: {  	s31 =	sshll.u32 s2, $0x6;
	s30 =	sshrl.u32 s28, $0x1;
	s5 =	smul.u32 $0x500, s5  }
0xb: {  	s8 =	sadd.s32 s9, s8;
	s29 =	sshrl.u32 s26, $0x2;
	s13 =	ssub.s32 s28, s30  }
0xc: {  	s8 =	sshrl.u32 s8, $0x3;
	s12 =	sadd.s32 s29, s3;
	s10 =	sadd.s32 s5, s6  }
0xd: {  	s5 =	sadd.s32 $0xC800, s6;
	s11 =	sadd.s32 s8, s6;
	s6 =	sor.u32 $0x1C02, s31  }
0xe: {  	s14 =	sadd.s32 $0x4000, s12;
	s15 =	sadd.s32 $0x8000, s12;
	s16 =	sadd.s32 $0xC000, s12  }
0xf: {  	s17 =	sadd.s32 $0x10000, s12;
	s7 =	sadd.s32 $0x5C000, s10;
	s8 =	sadd.s32 $0x2800, s10  }
0x10: {  	s9 =	sadd.s32 $0x66000, s11;
	s10 =	smax.u32 s13, $0x1;
	s11 =	sshrl.u32 s12, $0x3  }
0x11: {  	s12 =	simm.s32 $0x2;
	s13 =	sshrl.u32 s14, $0x3;
	s14 =	sshrl.u32 s15, $0x3  }
0x12: {  	s15 =	sshrl.u32 s16, $0x3;
	s16 =	sshrl.u32 s17, $0x3;
	s17 =	simm.s32 $0x2800  }
.LBB2_1:
0x13: {  	[spmem:s11], [sflag:s6] =	dma.local [hbm:s5], $0x800  }
0x14: {  	_ =	swait.ge [sflag:s12], $0x800  }
0x15: {  	[sflag:s12] =	ssyncset.done $0x0  }
0x16: {  	[sflag:s12] =	ssyncadd.s32 $0xFFFFF800  }
0x17: {  	[spmem:s13], [sflag:s6] =	dma.local [hbm:s5], $0x800  }
0x18: {  	_ =	swait.ge [sflag:s12], $0x800  }
0x19: {  	[sflag:s12] =	ssyncset.done $0x0  }
0x1a: {  	[sflag:s12] =	ssyncadd.s32 $0xFFFFF800  }
0x1b: {  	[spmem:s14], [sflag:s6] =	dma.local [hbm:s5], $0x800  }
0x1c: {  	_ =	swait.ge [sflag:s12], $0x800  }
0x1d: {  	[sflag:s12] =	ssyncset.done $0x0  }
0x1e: {  	[sflag:s12] =	ssyncadd.s32 $0xFFFFF800  }
0x1f: {  	[spmem:s15], [sflag:s6] =	dma.local [hbm:s5], $0x800  }
0x20: {  	_ =	swait.ge [sflag:s12], $0x800  }
0x21: {  	[sflag:s12] =	ssyncset.done $0x0  }
0x22: {  	[sflag:s12] =	ssyncadd.s32 $0xFFFFF800  }
0x23: {  	[spmem:s16], [sflag:s6] =	dma.local [hbm:s5], $0x780  }
0x24: {  	_ =	swait.ge [sflag:s12], $0x780  }
0x25: {  	[sflag:s12] =	ssyncset.done $0x0  }
0x26: {  	[sflag:s12] =	ssyncadd.s32 $0xFFFFF880  }
0x27: {  	[tilespmem:s4], [sflag:$0x2] =	stream.linear.gather [hbm4b:s7+s4], $0x2800, $0x38;
	[tilespmem:$0x1CC00] =	vst v63  }
0x28: {  	_ =	swait.ge [sflag:s12], $0x2800  }
0x29: {  	[sflag:s12] =	ssyncset.done $0x0  }
0x2a: {  	[sflag:s12] =	ssyncadd.s32 $0xFFFFD800  }
0x2b: {  	[tilespmem:s17], [sflag:$0x2] =	stream.linear.gather [hbm4b:s8+s4], $0x2800, $0x38;
	[tilespmem:$0x1CC00] =	vst v63  }
0x2c: {  	_ =	swait.ge [sflag:s12], $0x2800  }
0x2d: {  	[sflag:s12] =	ssyncset.done $0x0  }
0x2e: {  	[sflag:s12] =	ssyncadd.s32 $0xFFFFD800  }
0x2f: {  	s22 =	simm.s32 $0x0;
	[bflag:$0x0] =	sbarrier.arrive $0xFFFF  }
0x30: {  	[tilespmem:s19], [sflag:$0x1] =	stream.indirect.gather [hbm4b:s1+s18], $0x80, s22, s18, $0xb8;
	[tilespmem:$0x1CC00] =	vst v63  }
0x31: {  	_ =	swait.ge [sflag:s20], $0x4000  }
0x32: {  	[sflag:s20] =	ssyncset.done $0x0  }
0x33: {  	s31 =	simm.s32 $0x2800;
	[sflag:s20] =	ssyncadd.s32 $0xFFFFC000  }
0x34: {  	[spmem:s3] =	stream.indirect.scatter.add.f32 [tilespmem:s19], [sflag:$0x2], $0x80, s31, s18, $0xb8;
	[tilespmem:$0x1CC00] =	vst v63  }
0x35: {  	_ =	swait.ge [sflag:s12], $0x4000  }
0x36: {  	s23 =	simm.s32 $0x400;
	s22 =	simm.s32 $0x200;
	[sflag:s12] =	ssyncset.done $0x0  }
.LBB2_2:
0x37: {  	s24 =	sshra.s32 s22, $0x2  }
0x38: {  	[sflag:s12] =	ssyncadd.s32 $0xFFFFC000;
	s22 =	smov.u32 s23;
	s25 =	sadd.s32 $0x200, s23  }
0x39: {  	[tilespmem:s19], [sflag:$0x1] =	stream.indirect.gather [hbm4b:s1+s18], $0x80, s24, s18, $0xb8;
	[tilespmem:$0x1CC00] =	vst v63  }
0x3a: {  	p0 =	sne.s32 s23, $0x9E00;
	_ =	swait.ge [sflag:s20], $0x4000  }
.Ltmp0:
0x3b: {  	[sflag:s20] =	ssyncset.done $0x0;
	(pc) =	sbr.rel @p0 .LBB2_2-.Ltmp0, $4  }
0x3c: {  	s23 =	sadd.s32 $0x2800, s24;
	[sflag:s20] =	ssyncadd.s32 $0xFFFFC000  }
0x3d: {  	[spmem:s3] =	stream.indirect.scatter.add.f32 [tilespmem:s19], [sflag:$0x2], $0x80, s23, s18, $0xb8;
	[tilespmem:$0x1CC00] =	vst v63  }
0x3e: {  	_ =	swait.ge [sflag:s12], $0x4000  }
0x3f: {  	s23 =	smov.u32 s25;
	[sflag:s12] =	ssyncset.done $0x0  }
0x40: {  	s22 =	sshra.s32 s22, $0x2;
	[sflag:s12] =	ssyncadd.s32 $0xFFFFC000  }
0x41: {  	[tilespmem:s19], [sflag:$0x1] =	stream.indirect.gather [hbm4b:s1+s18], $0x80, s22, s18, $0xb8;
	[tilespmem:$0x1CC00] =	vst v63  }
0x42: {  	_ =	swait.ge [sflag:s20], $0x4000  }
0x43: {  	[sflag:s20] =	ssyncset.done $0x0  }
0x44: {  	s22 =	sadd.s32 $0x2800, s22;
	[sflag:s20] =	ssyncadd.s32 $0xFFFFC000  }
0x45: {  	[spmem:s3] =	stream.indirect.scatter.add.f32 [tilespmem:s19], [sflag:$0x2], $0x80, s22, s18, $0xb8;
	[tilespmem:$0x1CC00] =	vst v63  }
0x46: {  	_ =	swait.ge [sflag:s12], $0x4000  }
0x47: {  	s21 =	sadd.s32 $0x1, s21;
	[sflag:s12] =	ssyncset.done $0x0  }
0x48: {  	p0 =	sne.s32 s21, s10;
	[sflag:s12] =	ssyncadd.s32 $0xFFFFC000  }
.Ltmp1:
0x49: {  	[bflag:$0x0] =	sbarrier.arrive $0xFFFF;
	(pc) =	sbr.rel @p0 .LBB2_1-.Ltmp1, $4  }
0x4a: {  	[hbm:s9], [sflag:s6] =	dma.local [spmem:s11], $0x2780  }
0x4b: {  	_ =	swait.ge [sflag:s12], $0x2780  }
0x4c: {  	[sflag:s12] =	ssyncset.done $0x0  }
0x4d: {  	[sflag:s12] =	ssyncadd.s32 $0xFFFFD880  }
0x4e: {  	_ =	sfence.sel $0x180000  }
0x4f: {  	[bflag:$0x0] =	sbarrier.arrive $0xFFFF  }
0x50: {  	p0 =	sne.s32 s2, $0x0;
	_ =	strace $0x9000004D  }
0x51: {  	s0 =	sadd.s32 @!p0 $0x100000, s0;
	[bflag:$0x2] =	sbarrier.arrive $0xFFFF  }
0x52: {  	[sflag:s0] =	ssyncadd.tile.s32 @!p0 $0x1;
	_ =	shalt  }
.Lfunc_end2:
_tile_overlayer_lowered:
.L_overlay_start_2:
0x53: {  	(tag) =	ssettag $0x2  }
0x54: {  	s0 =	rddreg [dreg:$0x0];
	s2 =	stileid.u32  }
0x55: {  	s1 =	rddreg [dreg:$0x1];
	p0 =	sne.s32 s2, $0x0  }
0x56: {  	s3 =	rddreg [dreg:$0x2];
	[bflag:$0x3] =	sbarrier.arrive $0xFFFF;
	s2 =	simm.s32 @!p0 $0x1C02  }
0x57: {  	[timem:s3], [sflag:s2] =	dma.local @!p0 [hbm:s0], s1  }
0x58: {  	s0 =	simm.s32 @!p0 $0x2  }
0x59: {  	_ =	swait.ge @!p0 [sflag:s0], s1  }
0x5a: {  	s1 =	ssub.s32 @!p0 $0x0, s1;
	[sflag:s0] =	ssyncset.done @!p0 $0x0  }
0x5b: {  	[sflag:s0] =	ssyncadd.s32 @!p0 s1  }
0x5c: {  	[bflag:$0x3] =	sbarrier.arrive $0xFFFF  }
0x5d: {  	_ =	shalt  }

// kernel: kernel.8.cloned.1.call-start
scs
__scs_entry_jumppad:
0x0: {  	(pc) =	sbr.rel $0x88, $3  }
0x1: {  	(tag) =	ssettag $0x0;
	lr =	simm.s32 $0x1  }
0x2: {  	[smem:$0x3F9B] =	sst lr;
	_ =	strace $0xD0000000  }
0x3: {  	_ = 	snop  }
0x4: {  	_ = 	snop  }
0x5: {  	_ = 	snop  }
0x6: {  	_ = 	snop  }
0x7: {  	_ = 	snop  }
__scs_overlays_trampoline_lowered:
0x8: {  	[smem:$0x3FAA] =	sst s0  }
0x9: {  	[smem:$0x3FAB] =	sst s1  }
0xa: {  	[smem:$0x3FAC] =	sst s2  }
0xb: {  	[smem:$0x3FAD] =	sst s3  }
0xc: {  	[smem:$0x3FAE] =	sst s4  }
0xd: {  	[smem:$0x3FAF] =	sst s5  }
0xe: {  	[smem:$0x3FB0] =	sst s6  }
0xf: {  	[smem:$0x3FB1] =	sst s7  }
0x10: {  	[smem:$0x3FB2] =	sst s8  }
0x11: {  	[smem:$0x3FB3] =	sst s9;
	s0 =	simm.s32 @!p0 $0x0  }
0x12: {  	s1 =	sld [smem:$0x3F99];
	s0 =	simm.s32 @p0 $0x1  }
0x13: {  	[smem:$0x3FB4] =	sst s0;
	s0 =	simm.s32 @!p1 $0x0  }
0x14: {  	s2 =	sld [smem:$0x3F98];
	s0 =	simm.s32 @p1 $0x1  }
0x15: {  	[smem:$0x3FB5] =	sst s0;
	s0 =	simm.s32 @!p2 $0x0  }
0x16: {  	s3 =	sld [smem:$0x3FDB];
	s0 =	simm.s32 @p2 $0x1  }
0x17: {  	s4 =	simm.s32 $0x1BF5;
	[smem:$0x3FB7] =	sst s0  }
0x18: {  	s0 =	sld [smem:$0x3F9A];
	_ =	swait.ge [sflag:s4], $0x0  }
0x19: {  	s7 =	sld [smem:$0x3F9B]  }
0x1a: {  	s8 =	sadd.s32 $0xFFFFE003, lr  }
0x1b: {  	s9 =	sadd.s32 $0xFFFFFEF7, lr;
	s5 =	simm.s32 $0xFFFFFFFF;
	p2 =	slt.u32 s8, $0xFFFFF086  }
0x1c: {  	p1 =	slt.u32 s9, $0xF7A;
	s5 =	simm.s32 @!p2 $0x0  }
0x1d: {  	s5 =	simm.s32 @p1 $0x1;
	p0 =	seq.s32 s7, s2  }
0x1e: {  	s7 =	smul.u32 @!p0 $0xF7A, s2;
	p2 =	seq.s32 @!p0 s5, $0x0  }
0x1f: {  	s9 =	smul.u32 $0xF7A, s1;
	s8 =	simm.s32 @!p0 $0x1BF5;
	p2 =	por !p2, p0  }
0x20: {  	[sflag:s8] =	ssyncset.s32 @!p0 $0xFFFFF086;
	s6 =	sadd.s32 @!p0 s3, s7;
	s7 =	simm.s32 @!p0 $0x108  }
0x21: {  	s3 =	sadd.s32 s3, s9;
	s6 =	sadd.s32 @!p0 $0x88, s6;
	s7 =	simm.s32 @p2 $0x1082  }
0x22: {  	[simem:s7], [sflag:s8] =	dma.local @!p0 [hbm:s6], $0xF7A  }
0x23: {  	s9 =	sor.u32 $0xD0000000, s2;
	s6 =	simm.s32 $0x108;
	_ =	swait.ge @!p0 [sflag:s8], $0x0  }
0x24: {  	s3 =	sadd.s32 $0x88, s3;
	s6 =	simm.s32 @!p1 $0x1082;
	[sflag:s4] =	ssyncset.s32 $0xFFFFF086  }
0x25: {  	[simem:s6], [sflag:s4] =	dma.local [hbm:s3], $0xF7A  }
0x26: {  	[smem:$0x3F9B] =	sst s1;
	(tag) =	ssettag s2;
	_ =	strace s9  }
0x27: {  	s1 =	sld [smem:$0x3FAB]  }
0x28: {  	s2 =	sld [smem:$0x3FAC]  }
0x29: {  	s4 =	sld [smem:$0x3FAE]  }
0x2a: {  	p0 =	seq.s32 s5, $0x0;
	s5 =	sld [smem:$0x3FAF]  }
0x2b: {  	s6 =	sld [smem:$0x3FB0]  }
0x2c: {  	s7 =	sld [smem:$0x3FB1]  }
0x2d: {  	s3 =	simm.s32 $0x108;
	s8 =	sld [smem:$0x3FB2]  }
0x2e: {  	s3 =	simm.s32 @!p0 $0x1082;
	s9 =	sld [smem:$0x3FB3]  }
0x2f: {  	lr =	sadd.s32 s0, s3;
	s0 =	sld [smem:$0x3FAA]  }
0x30: {  	s3 =	sld [smem:$0x3FAD]  }
0x31: {  	[smem:$0x3FB6] =	sst s10  }
0x32: {  	s10 =	sld [smem:$0x3FB4];
	_ =	sdelay $0x3  }
0x33: {  	p0 =	seq.s32 s10, $0x1;
	s10 =	sld [smem:$0x3FB6];
	_ =	sdelay $0x3  }
0x34: {  	[smem:$0x3FB6] =	sst s10  }
0x35: {  	s10 =	sld [smem:$0x3FB5];
	_ =	sdelay $0x3  }
0x36: {  	p1 =	seq.s32 s10, $0x1;
	s10 =	sld [smem:$0x3FB6];
	_ =	sdelay $0x3  }
0x37: {  	[smem:$0x3FB6] =	sst s10  }
0x38: {  	s10 =	sld [smem:$0x3FB7]  }
0x39: {  	_ = 	snop;
	(pc) =	sbr.ind lr, $3  }
0x3a: {  	_ = 	snop  }
0x3b: {  	_ = 	snop  }
0x3c: {  	p2 =	seq.s32 s10, $0x1;
	s10 =	sld [smem:$0x3FB6]  }
0x3d: {  	_ =	shalt  }
0x3e: {  	_ =	shalt  }
0x3f: {  	_ =	shalt  }
0x40: {  	_ =	shalt  }
0x41: {  	_ =	shalt  }
0x42: {  	_ =	shalt  }
0x43: {  	_ =	shalt  }
0x44: {  	_ =	shalt  }
0x45: {  	_ =	shalt  }
0x46: {  	_ =	shalt  }
0x47: {  	_ =	shalt  }
0x48: {  	_ =	shalt  }
0x49: {  	_ =	shalt  }
0x4a: {  	_ =	shalt  }
0x4b: {  	_ =	shalt  }
0x4c: {  	_ =	shalt  }
0x4d: {  	_ =	shalt  }
0x4e: {  	_ =	shalt  }
0x4f: {  	_ =	shalt  }
0x50: {  	_ =	shalt  }
0x51: {  	_ =	shalt  }
0x52: {  	_ =	shalt  }
0x53: {  	_ =	shalt  }
0x54: {  	_ =	shalt  }
0x55: {  	_ =	shalt  }
0x56: {  	_ =	shalt  }
0x57: {  	_ =	shalt  }
0x58: {  	_ =	shalt  }
0x59: {  	_ =	shalt  }
0x5a: {  	_ =	shalt  }
0x5b: {  	_ =	shalt  }
0x5c: {  	_ =	shalt  }
0x5d: {  	_ =	shalt  }
0x5e: {  	_ =	shalt  }
0x5f: {  	_ =	shalt  }
0x60: {  	_ =	shalt  }
0x61: {  	_ =	shalt  }
0x62: {  	_ =	shalt  }
0x63: {  	_ =	shalt  }
0x64: {  	_ =	shalt  }
0x65: {  	_ =	shalt  }
0x66: {  	_ =	shalt  }
0x67: {  	_ =	shalt  }
0x68: {  	_ =	shalt  }
0x69: {  	_ =	shalt  }
0x6a: {  	_ =	shalt  }
0x6b: {  	_ =	shalt  }
0x6c: {  	_ =	shalt  }
0x6d: {  	_ =	shalt  }
0x6e: {  	_ =	shalt  }
0x6f: {  	_ =	shalt  }
0x70: {  	_ =	shalt  }
0x71: {  	_ =	shalt  }
0x72: {  	_ =	shalt  }
0x73: {  	_ =	shalt  }
0x74: {  	_ =	shalt  }
0x75: {  	_ =	shalt  }
0x76: {  	_ =	shalt  }
0x77: {  	_ =	shalt  }
0x78: {  	_ =	shalt  }
0x79: {  	_ =	shalt  }
0x7a: {  	_ =	shalt  }
0x7b: {  	_ =	shalt  }
0x7c: {  	_ =	shalt  }
0x7d: {  	_ =	shalt  }
0x7e: {  	_ =	shalt  }
0x7f: {  	_ =	shalt  }
0x80: {  	_ =	shalt  }
0x81: {  	_ =	shalt  }
0x82: {  	_ =	shalt  }
0x83: {  	_ =	shalt  }
0x84: {  	_ =	shalt  }
0x85: {  	_ =	shalt  }
0x86: {  	_ =	shalt  }
0x87: {  	_ =	shalt  }
.Lfunc_end0:
.L_simem_size_0:
called_computation_lowered:
.L_overlay_start_0:
0x88: {  	s2 =	sld [smem:$0x3FD9]  }
0x89: {  	s3 =	sld [smem:$0x3FFE];
	_ =	sdelay $0x1  }
0x8a: {  	s1 =	srdreg.scid  }
0x8b: {  	s0 =	sand.u32 $0x1, s1  }
0x8c: {  	s17 =	sshll.u32 s0, $0xA;
	s2 =	sadd.s32 s3, s2  }
0x8d: {  	s2 =	sadd.s32 s2, s17  }
0x8e: {  	[smem:$0x3FC2] =	sst s2  }
0x8f: {  	_ = 	snop  }
0x90: {  	s2 =	sld [smem:$0x3FD0];
	(tm) =	ssettm $0x1  }
0x91: {  	s18 =	sld [smem:$0x3FFB];
	_ =	sdelay $0x3  }
0x92: {  	_ =	strace s18  }
0x93: {  	s3 =	sld [smem:$0x3FFC];
	_ =	sdelay $0x3  }
0x94: {  	_ =	strace s3  }
0x95: {  	s3 =	sld [smem:$0x3FFD];
	_ =	sdelay $0x3  }
0x96: {  	_ =	strace s3  }
0x97: {  	_ =	strace $0x8FFFFFFF  }
0x98: {  	s19 =	sld [smem:$0x3FDB];
	_ =	sdelay $0x1  }
0x99: {  	s4 =	simm.s32 $_scs_section_size  }
0x9a: {  	s5 =	simm.s32 $_size__tile_overlayer_lowered;
	s6 =	simm.s32 $_tile_overlayer_lowered  }
0x9b: {  	s22 =	simm.s32 $0x1BFF;
	s21 =	sshll.u32 s6, $0x1;
	s3 =	sadd.s32 s4, s19  }
0x9c: {  	s7 =	simm.s32 $0x0;
	s20 =	sshll.u32 s5, $0x1;
	s5 =	sadd.s32 s21, s3  }
0x9d: {  	[timem:s7], [sflag:s22] =	dma.local [hbm:s5], s20  }
0x9e: {  	_ =	swait.ge [sflag:s22], s20  }
0x9f: {  	s4 =	ssub.s32 $0x0, s20;
	[sflag:s22] =	ssyncset.done $0x0  }
0xa0: {  	[sflag:s22] =	ssyncadd.s32 s4;
	_ =	sdelay $0x1  }
0xa1: {  	s23 =	simm.s32 $0x1B8B  }
0xa2: {  	_ =	swait.ge [sflag:s23], $0x1  }
0xa3: {  	[sflag:s23] =	ssyncset.done $0x0  }
0xa4: {  	s25 =	simm.s32 $0x1B8E;
	s24 =	sld [smem:$0x3FFE];
	[sflag:s23] =	ssyncadd.s32 $0xFFFFFFFF  }
0xa5: {  	s26 =	simm.s32 $execute0_lowered;
	[smem:$0x3FD2] =	sst s25  }
0xa6: {  	s5 =	sshll.u32 s26, $0x1;
	_ =	strace $0x80000046;
	[dreg:$0x1] =	wrdreg $0xFFFFFFFF  }
0xa7: {  	s28 =	simm.s32 $_size_execute0_lowered;
	s3 =	sadd.s32 s3, s5;
	[dreg:$0x0] =	wrdreg $0x0  }
0xa8: {  	s5 =	sshll.u32 s28, $0x1;
	[dreg:$0x2] =	wrdreg s3  }
0xa9: {  	[dreg:$0x3] =	wrdreg s5  }
0xaa: {  	[dreg:$0x4] =	wrdreg $0xC0  }
0xab: {  	_ =	task [dreg:s7], $0x5FFFF  }
0xac: {  	[dreg:$0x1] =	wrdreg $0xFFFFFFFF  }
0xad: {  	[dreg:$0x0] =	wrdreg $0x60  }
0xae: {  	[dreg:$0x2] =	wrdreg s24  }
0xaf: {  	[dreg:$0x3] =	wrdreg s2  }
0xb0: {  	[dreg:$0x4] =	wrdreg $0x68000  }
0xb1: {  	[dreg:$0x5] =	wrdreg $0x9  }
0xb2: {  	_ =	task.clear_ibuf [dreg:s7], $0x6FFFF;
	_ =	strace $0x90000046  }
0xb3: {  	s29 =	simm.s32 $0x9;
	_ =	strace $0x80000048  }
0xb4: {  	_ =	swait.ge [sflag:s29], $0x1  }
0xb5: {  	[sflag:s29] =	ssyncadd.s32 $0xFFFFFFFF  }
0xb6: {  	_ =	strace $0x90000048  }
0xb7: {  	_ =	sfence  }
0xb8: {  	s30 =	sld [smem:$0x0];
	_ =	sdelay $0x2  }
0xb9: {  	s31 =	sshll.u32 s1, $0xD;
	s1 =	sshrl.u32 s1, $0x2  }
0xba: {  	s3 =	sand.u32 $0x4000, s31;
	s1 =	sadd.s32 s1, s30  }
0xbb: {  	s0 =	sor.u32 s3, s0;
	s1 =	sshll.u32 s1, $0x11  }
0xbc: {  	s0 =	sor.u32 s1, s0  }
0xbd: {  	s0 =	sadd.s32 $0x8F2B, s0  }
0xbe: {  	[sflag:s0] =	ssyncadd.remote.s32 $0x1  }
0xbf: {  	_ =	sfence.sel $0xFFFF  }
0xc0: {  	[dreg:$0x0] =	wrdreg $0xFFFFFFFF;
	(pc) =	sbr.abs _section_cstart, $3  }
0xc1: {  	[dreg:$0x1] =	wrdreg $0xFFFFFFFF  }
0xc2: {  	_ =	task.clear_ibuf [dreg:s7], $0x2FFFF;
	_ =	strace $0x9FFFFFFF  }
0xc3: {  	(tm) =	ssettm $0x7FFFFFFF  }
tec
execute0_lowered:
.L_overlay_start_1:
0x0: {  	(tag) =	ssettag $0x1  }
0x1: {  	s6 =	rddreg [dreg:$0x0]  }
0x2: {  	s1 =	rddreg [dreg:$0x1]  }
0x3: {  	s3 =	rddreg [dreg:$0x2]  }
0x4: {  	s2 =	srdreg.scid;
	s0 =	rddreg [dreg:$0x3]  }
0x5: {  	s4 =	simm.s32 $0x0;
	s16 =	simm.s32 $0x2800;
	s7 =	sand.u32 $0x1, s2  }
0x6: {  	s17 =	simm.s32 $0x80;
	s2 =	stileid.u32;
	s8 =	smul.u32 $0x13C000, s7  }
0x7: {  	s18 =	simm.s32 $0x0;
	[smem:$0x7FF] =	sst s4;
	s9 =	smul.u32 $0x13C00, s2  }
0x8: {  	s5 =	sshll.u32 s7, $0x4;
	_ =	strace $0x80000047;
	s26 =	smul.u32 $0x4F000, s2  }
0x9: {  	s28 =	ssub.s32 $0x2, s7;
	s31 =	sshll.u32 s2, $0x6;
	s5 =	sor.u32 s2, s5  }
0xa: {  	s30 =	sshrl.u32 s28, $0x1;
	s5 =	smul.u32 $0x500, s5;
	s8 =	sadd.s32 s9, s8  }
0xb: {  	s29 =	sshrl.u32 s26, $0x2;
	s9 =	ssub.s32 s28, s30;
	s8 =	sshrl.u32 s8, $0x3  }
0xc: {  	s11 =	sadd.s32 s29, s3;
	s9 =	smax.u32 s9, $0x1;
	s10 =	sadd.s32 s5, s6  }
0xd: {  	s5 =	sadd.s32 $0xC800, s6;
	s8 =	sadd.s32 s8, s6;
	s6 =	sor.u32 $0x1C01, s31  }
0xe: {  	s12 =	sadd.s32 $0x4000, s11;
	s13 =	sadd.s32 $0x8000, s11;
	s14 =	sadd.s32 $0xC000, s11  }
0xf: {  	s15 =	sadd.s32 $0x10000, s11;
	s7 =	sadd.s32 $0x2800, s10;
	s8 =	sadd.s32 $0xD000, s8  }
0x10: {  	s10 =	sshrl.u32 s11, $0x3;
	s11 =	simm.s32 $0x1;
	s12 =	sshrl.u32 s12, $0x3  }
0x11: {  	s13 =	sshrl.u32 s13, $0x3;
	s14 =	sshrl.u32 s14, $0x3;
	s15 =	sshrl.u32 s15, $0x3  }
.LBB2_1:
0x12: {  	[spmem:s10], [sflag:s6] =	dma.local [hbm:s5], $0x800  }
0x13: {  	_ =	swait.ge [sflag:s11], $0x800  }
0x14: {  	[sflag:s11] =	ssyncset.done $0x0  }
0x15: {  	[sflag:s11] =	ssyncadd.s32 $0xFFFFF800  }
0x16: {  	[spmem:s12], [sflag:s6] =	dma.local [hbm:s5], $0x800  }
0x17: {  	_ =	swait.ge [sflag:s11], $0x800  }
0x18: {  	[sflag:s11] =	ssyncset.done $0x0  }
0x19: {  	[sflag:s11] =	ssyncadd.s32 $0xFFFFF800  }
0x1a: {  	[spmem:s13], [sflag:s6] =	dma.local [hbm:s5], $0x800  }
0x1b: {  	_ =	swait.ge [sflag:s11], $0x800  }
0x1c: {  	[sflag:s11] =	ssyncset.done $0x0  }
0x1d: {  	[sflag:s11] =	ssyncadd.s32 $0xFFFFF800  }
0x1e: {  	[spmem:s14], [sflag:s6] =	dma.local [hbm:s5], $0x800  }
0x1f: {  	_ =	swait.ge [sflag:s11], $0x800  }
0x20: {  	[sflag:s11] =	ssyncset.done $0x0  }
0x21: {  	[sflag:s11] =	ssyncadd.s32 $0xFFFFF800  }
0x22: {  	[spmem:s15], [sflag:s6] =	dma.local [hbm:s5], $0x780  }
0x23: {  	_ =	swait.ge [sflag:s11], $0x780  }
0x24: {  	[sflag:s11] =	ssyncset.done $0x0  }
0x25: {  	[sflag:s11] =	ssyncadd.s32 $0xFFFFF880  }
0x26: {  	[tilespmem:s16], [sflag:$0x1] =	stream.linear.gather [hbm4b:s1+s4], $0x4000, $0x38;
	[tilespmem:$0x1A400] =	vst v63  }
0x27: {  	_ =	swait.ge [sflag:s11], $0x4000  }
0x28: {  	[sflag:s11] =	ssyncset.done $0x0  }
0x29: {  	[sflag:s11] =	ssyncadd.s32 $0xFFFFC000  }
0x2a: {  	[tilespmem:s4], [sflag:$0x1] =	stream.linear.gather [hbm4b:s7+s4], $0x2800, $0x38;
	[tilespmem:$0x1A400] =	vst v63  }
0x2b: {  	_ =	swait.ge [sflag:s11], $0x2800  }
0x2c: {  	[sflag:s11] =	ssyncset.done $0x0  }
0x2d: {  	[sflag:s11] =	ssyncadd.s32 $0xFFFFD800  }
0x2e: {  	s19 =	simm.s32 $0x0;
	[bflag:$0x0] =	sbarrier.arrive $0xFFFF  }
0x2f: {  	[spmem:s3] =	stream.indirect.scatter.add.f32 [tilespmem:s16], [sflag:$0x1], $0x80, s19, s17, $0xb8;
	[tilespmem:$0x1A400] =	vst v63  }
0x30: {  	_ =	swait.ge [sflag:s11], $0x4000  }
0x31: {  	s19 =	simm.s32 $0x200;
	[sflag:s11] =	ssyncset.done $0x0  }
.LBB2_2:
0x32: {  	s20 =	sshra.s32 s19, $0x2;
	[sflag:s11] =	ssyncadd.s32 $0xFFFFC000;
	p0 =	sne.s32 s19, $0x9E00  }
0x33: {  	[spmem:s3] =	stream.indirect.scatter.add.f32 [tilespmem:s16], [sflag:$0x1], $0x80, s20, s17, $0xb8;
	[tilespmem:$0x1A400] =	vst v63  }
.Ltmp0:
0x34: {  	_ = 	snop;
	(pc) =	sbr.rel @p0 .LBB2_2-.Ltmp0, $4  }
0x35: {  	_ = 	snop  }
0x36: {  	s19 =	sadd.s32 $0x200, s19  }
0x37: {  	_ =	swait.ge [sflag:s11], $0x4000  }
0x38: {  	[sflag:s11] =	ssyncset.done $0x0  }
0x39: {  	s18 =	sadd.s32 $0x1, s18  }
0x3a: {  	[sflag:s11] =	ssyncadd.s32 $0xFFFFC000;
	p0 =	sne.s32 s18, s9  }
.Ltmp1:
0x3b: {  	[bflag:$0x0] =	sbarrier.arrive $0xFFFF;
	(pc) =	sbr.rel @p0 .LBB2_1-.Ltmp1, $4  }
0x3c: {  	[hbm:s8], [sflag:s6] =	dma.local [spmem:s10], $0x2780  }
0x3d: {  	_ =	swait.ge [sflag:s11], $0x2780  }
0x3e: {  	[sflag:s11] =	ssyncset.done $0x0  }
0x3f: {  	[sflag:s11] =	ssyncadd.s32 $0xFFFFD880  }
0x40: {  	_ =	sfence.sel $0x180000  }
0x41: {  	[bflag:$0x0] =	sbarrier.arrive $0xFFFF  }
0x42: {  	p0 =	sne.s32 s2, $0x0;
	_ =	strace $0x90000047  }
0x43: {  	s0 =	sadd.s32 @!p0 $0x100000, s0;
	[bflag:$0x2] =	sbarrier.arrive $0xFFFF  }
0x44: {  	[sflag:s0] =	ssyncadd.tile.s32 @!p0 $0x1;
	_ =	shalt  }
.Lfunc_end2:
_tile_overlayer_lowered:
.L_overlay_start_2:
0x45: {  	(tag) =	ssettag $0x2  }
0x46: {  	s0 =	rddreg [dreg:$0x0];
	s2 =	stileid.u32  }
0x47: {  	s1 =	rddreg [dreg:$0x1];
	p0 =	sne.s32 s2, $0x0  }
0x48: {  	s3 =	rddreg [dreg:$0x2];
	[bflag:$0x3] =	sbarrier.arrive $0xFFFF;
	s2 =	simm.s32 @!p0 $0x1C01  }
0x49: {  	[timem:s3], [sflag:s2] =	dma.local @!p0 [hbm:s0], s1  }
0x4a: {  	s0 =	simm.s32 @!p0 $0x1  }
0x4b: {  	_ =	swait.ge @!p0 [sflag:s0], s1  }
0x4c: {  	s1 =	ssub.s32 @!p0 $0x0, s1;
	[sflag:s0] =	ssyncset.done @!p0 $0x0  }
0x4d: {  	[sflag:s0] =	ssyncadd.s32 @!p0 s1  }
0x4e: {  	[bflag:$0x3] =	sbarrier.arrive $0xFFFF  }
0x4f: {  	_ =	shalt  }

</sc_bundles>
